<compile_context>
chip_gen: v7x
topology: tpu7x:2x2x1
jax: 0.10.2.dev20260603
libtpu: 0.0.44.dev20260713+nightly
codegen_flags: <defaults>
</compile_context>

<pallas_src>
import functools

import jax
import jax.numpy as jnp
from jax import lax
from jax.experimental import pallas as pl
from jax.experimental.pallas import tpu as pltpu
from jax.experimental.pallas import tpu_sc as plsc



def _node1_body(x_ref, w_ref, as_ref, ad_ref, h_ref, ts_ref, td_ref):
    h = jnp.dot(x_ref[...], w_ref[...], preferred_element_type=jnp.float32)
    z = jnp.zeros((h.shape[0], 16), jnp.float32)
    h_ref[...] = jnp.concatenate([h, z], axis=1)
    ts_ref[...] = jnp.dot(h, as_ref[...], preferred_element_type=jnp.float32)
    td_ref[...] = jnp.dot(h, ad_ref[...], preferred_element_type=jnp.float32)


def _mid_body(hb_ref, k_ref, b1_ref, w2_ref, as_ref, ad_ref,
              g_ref, ts_ref, td_ref):
    hb = hb_ref[...]
    h1 = hb[:, :64]
    den = hb[:, 64:72]
    r = 1.0 / (den + 1e-16)
    scale = jnp.dot(r, k_ref[...], preferred_element_type=jnp.float32)
    hn = h1 * scale + b1_ref[...]
    he = jnp.where(hn > 0, hn, jnp.exp(jnp.minimum(hn, 0.0)) - 1.0)
    g = jnp.dot(he, w2_ref[...], preferred_element_type=jnp.float32)
    z = jnp.zeros((g.shape[0], 16), jnp.float32)
    g_ref[...] = jnp.concatenate([g, z], axis=1)
    ts_ref[...] = jnp.dot(g, as_ref[...], preferred_element_type=jnp.float32)
    td_ref[...] = jnp.dot(g, ad_ref[...], preferred_element_type=jnp.float32)


def _pool_body(hb_ref, b2_ref, wl_ref, bl_ref, acc_ref, out_ref):
    i = pl.program_id(0)
    n = pl.num_programs(0)

    @pl.when(i == 0)
    def _init():
        acc_ref[...] = jnp.zeros_like(acc_ref)

    hb = hb_ref[...]
    hn = hb[:, :16] / (hb[:, 16:17] + 1e-16)
    acc_ref[...] += jnp.sum(hn, axis=0, keepdims=True)

    @pl.when(i == n - 1)
    def _fin():
        ntot = n * hb_ref.shape[0]
        pooled = acc_ref[...] / ntot + b2_ref[...]
        logits = jnp.dot(pooled, wl_ref[...],
                         preferred_element_type=jnp.float32) + bl_ref[...]
        m = jnp.max(logits, axis=1, keepdims=True)
        e = jnp.exp(logits - m)
        out_ref[...] = e / jnp.sum(e, axis=1, keepdims=True)



def _make_edge_kernel(N, E_tot, E_pad, H, C):
    HC = H * C
    RW = HC + 16
    CH = 512
    KB = CH // 128
    NT = 16
    H2 = N // 2
    G2 = ((H2 + NT + 127) // 128) * 128
    SPT = E_pad // NT
    NCHUNK = SPT // CH
    NBLK8 = H2 // 8

    mesh = plsc.VectorSubcoreMesh(core_axis_name="c", subcore_axis_name="s")

    @functools.partial(
        pl.kernel,
        out_type=jax.ShapeDtypeStruct((N, RW), jnp.float32),
        mesh=mesh,
        compiler_params=pltpu.CompilerParams(use_tc_tiling_on_sc=False),
        scratch_types=[
            pltpu.VMEM((KB, 128), jnp.int32),
            pltpu.VMEM((KB, 128), jnp.int32),
            pltpu.VMEM((CH, 16), jnp.float32),
            pltpu.VMEM((CH, 16), jnp.float32),
            pltpu.VMEM((CH, RW), jnp.float32),
            pltpu.VMEM_SHARED((G2, RW), jnp.float32),
            pltpu.SemaphoreType.DMA,
            pltpu.SemaphoreType.DMA,
            pltpu.SemaphoreType.DMA,
        ],
    )
    def edge_kernel(src_hbm, dst_hbm, ts_hbm, td_hbm, h_hbm, z_hbm, out_hbm,
                    srcv, dstv, asv, adv, hv, acc, semA, semB, semH):
        c = lax.axis_index("c")
        s = lax.axis_index("s")
        lo = c * H2
        lanes = lax.iota(jnp.int32, 16)
        headmask = lanes < H

        rpt = G2 // NT
        r0 = pl.multiple_of(s * rpt, 8)
        pltpu.sync_copy(z_hbm.at[pl.ds(r0, rpt)], acc.at[pl.ds(r0, rpt)])
        plsc.subcore_barrier()

        gr = H2 + s

        def _chunk_body(ci, carry):
            base = s * SPT + ci * CH
            brow = pl.multiple_of(base // 128, 4)
            pltpu.sync_copy(src_hbm.at[pl.ds(brow, KB)], srcv)
            pltpu.sync_copy(dst_hbm.at[pl.ds(brow, KB)], dstv)
            cps = []
            for j in range(KB):
                cps.append(pltpu.async_copy(
                    ts_hbm.at[srcv.at[j]], asv.at[pl.ds(j * 128, 128)], semA))
                cps.append(pltpu.async_copy(
                    td_hbm.at[dstv.at[j]], adv.at[pl.ds(j * 128, 128)], semB))
                cps.append(pltpu.async_copy(
                    h_hbm.at[srcv.at[j]], hv.at[pl.ds(j * 128, 128)], semH))
            for cp in cps:
                cp.wait()

            def _blk(b, carry2):
                kb = b // 8
                off16 = (b % 8) * 16
                boff = b * 16
                dstb = dstv[kb, pl.ds(off16, 16)]
                eid = base + boff + lanes
                valid = (eid < E_tot) & (dstb >= lo) & (dstb < lo + H2)
                idx16 = jnp.where(valid, dstb - lo, gr)
                for e16 in range(16):
                    e = boff + e16
                    raw = asv[e, :] + adv[e, :]
                    w = jnp.exp(jnp.where(raw >= 0, raw, raw * 0.2))
                    hv[e, pl.ds(HC, 16)] = jnp.where(headmask, w, 0.0)
                    for h in range(H):
                        hv[e, pl.ds(h * C, C)] = hv[e, pl.ds(h * C, C)] * w[h]
                pltpu.sync_copy(hv.at[pl.ds(boff, 16)],
                                acc.at[idx16], add=True)
                return carry2

            lax.fori_loop(0, CH // 16, _blk, 0)
            return carry

        lax.fori_loop(0, NCHUNK, _chunk_body, 0)
        plsc.subcore_barrier()

        nb = (NBLK8 - s + NT - 1) // NT

        def _out_body(i, carry):
            bid = s + i * NT
            rr = pl.multiple_of(bid * 8, 8)
            g0 = pl.multiple_of(lo + bid * 8, 8)
            pltpu.sync_copy(acc.at[pl.ds(rr, 8)], out_hbm.at[pl.ds(g0, 8)])
            return carry

        lax.fori_loop(0, nb, _out_body, 0)

    return edge_kernel



def kernel(x, edge_index, W1, att_src1, att_dst1, b1, W2, att_src2,
           att_dst2, b2, W_lin, b_lin):
    N, F = x.shape
    E = edge_index.shape[1]
    H1, C1 = att_src1.shape[1], att_src1.shape[2]
    C2 = att_src2.shape[2]
    HC1 = H1 * C1

    loop = jnp.arange(N, dtype=jnp.int32)
    src = jnp.concatenate([edge_index[0].astype(jnp.int32), loop])
    dst = jnp.concatenate([edge_index[1].astype(jnp.int32), loop])
    E_tot = E + N
    NT, CH = 16, 512
    E_pad = ((E_tot + NT * CH - 1) // (NT * CH)) * (NT * CH)
    pad = E_pad - E_tot
    src = jnp.pad(src, (0, pad)).reshape(E_pad // 128, 128)
    dst = jnp.pad(dst, (0, pad)).reshape(E_pad // 128, 128)

    a_s1 = att_src1.reshape(H1, C1)
    a_d1 = att_dst1.reshape(H1, C1)
    As1 = jnp.zeros((HC1, 16), jnp.float32)
    Ad1 = jnp.zeros((HC1, 16), jnp.float32)
    for h in range(H1):
        As1 = As1.at[h * C1:(h + 1) * C1, h].set(a_s1[h])
        Ad1 = Ad1.at[h * C1:(h + 1) * C1, h].set(a_d1[h])

    BN = 400
    grid1 = (N // BN,)
    hbig, ts1, td1 = pl.pallas_call(
        _node1_body,
        grid=grid1,
        in_specs=[
            pl.BlockSpec((BN, F), lambda i: (i, 0)),
            pl.BlockSpec((F, HC1), lambda i: (0, 0)),
            pl.BlockSpec((HC1, 16), lambda i: (0, 0)),
            pl.BlockSpec((HC1, 16), lambda i: (0, 0)),
        ],
        out_specs=[
            pl.BlockSpec((BN, HC1 + 16), lambda i: (i, 0)),
            pl.BlockSpec((BN, 16), lambda i: (i, 0)),
            pl.BlockSpec((BN, 16), lambda i: (i, 0)),
        ],
        out_shape=[
            jax.ShapeDtypeStruct((N, HC1 + 16), jnp.float32),
            jax.ShapeDtypeStruct((N, 16), jnp.float32),
            jax.ShapeDtypeStruct((N, 16), jnp.float32),
        ],
    )(x, W1, As1, Ad1)

    G2 = ((N // 2 + NT + 127) // 128) * 128
    edge1 = _make_edge_kernel(N, E_tot, E_pad, H1, C1)
    out1 = edge1(src, dst, ts1, td1, hbig,
                 jnp.zeros((G2, HC1 + 16), jnp.float32))

    K = jnp.zeros((8, HC1), jnp.float32)
    for h in range(H1):
        K = K.at[h, h * C1:(h + 1) * C1].set(1.0)
    As2 = jnp.zeros((C2, 16), jnp.float32)
    Ad2 = jnp.zeros((C2, 16), jnp.float32)
    As2 = As2.at[:, 0].set(att_src2.reshape(C2))
    Ad2 = Ad2.at[:, 0].set(att_dst2.reshape(C2))

    gbig, ts2, td2 = pl.pallas_call(
        _mid_body,
        grid=grid1,
        in_specs=[
            pl.BlockSpec((BN, HC1 + 16), lambda i: (i, 0)),
            pl.BlockSpec((8, HC1), lambda i: (0, 0)),
            pl.BlockSpec((1, HC1), lambda i: (0, 0)),
            pl.BlockSpec((HC1, C2), lambda i: (0, 0)),
            pl.BlockSpec((C2, 16), lambda i: (0, 0)),
            pl.BlockSpec((C2, 16), lambda i: (0, 0)),
        ],
        out_specs=[
            pl.BlockSpec((BN, C2 + 16), lambda i: (i, 0)),
            pl.BlockSpec((BN, 16), lambda i: (i, 0)),
            pl.BlockSpec((BN, 16), lambda i: (i, 0)),
        ],
        out_shape=[
            jax.ShapeDtypeStruct((N, C2 + 16), jnp.float32),
            jax.ShapeDtypeStruct((N, 16), jnp.float32),
            jax.ShapeDtypeStruct((N, 16), jnp.float32),
        ],
    )(hbig, K, b1.reshape(1, HC1), W2, As2, Ad2)

    edge2 = _make_edge_kernel(N, E_tot, E_pad, 1, C2)
    out2 = edge2(src, dst, ts2, td2, gbig,
                 jnp.zeros((G2, C2 + 16), jnp.float32))

    n_cls = W_lin.shape[1]
    BP = 2000
    _, probs = pl.pallas_call(
        _pool_body,
        grid=(N // BP,),
        in_specs=[
            pl.BlockSpec((BP, C2 + 16), lambda i: (i, 0)),
            pl.BlockSpec((1, C2), lambda i: (0, 0)),
            pl.BlockSpec((C2, n_cls), lambda i: (0, 0)),
            pl.BlockSpec((1, n_cls), lambda i: (0, 0)),
        ],
        out_specs=[
            pl.BlockSpec((1, C2), lambda i: (0, 0)),
            pl.BlockSpec((1, n_cls), lambda i: (0, 0)),
        ],
        out_shape=[
            jax.ShapeDtypeStruct((1, C2), jnp.float32),
            jax.ShapeDtypeStruct((1, n_cls), jnp.float32),
        ],
    )(out2, b2.reshape(1, C2), W_lin, b_lin.reshape(1, n_cls))
    return probs

# --- scband reference (transcript-rebuilt; emitter-appended) ---
"""Pipeline reference for scband-sensor-gat-4131758539435 (READ-ONLY COPY).

The authoritative reference and input builder live on the scoring server;
editing this copy changes nothing except your own understanding.
"""

import jax, jax.numpy as jnp
import numpy as np


def _gat_conv(x, edge_index, W, att_src, att_dst, bias, heads, out_ch):
    N = x.shape[0]
    # PyG GATConv adds self loops by default
    loop = jnp.arange(N, dtype=edge_index.dtype)
    src = jnp.concatenate([edge_index[0], loop])
    dst = jnp.concatenate([edge_index[1], loop])
    h = (x @ W).reshape(N, heads, out_ch)
    a_src = (h * att_src).sum(-1)  # [N, H]
    a_dst = (h * att_dst).sum(-1)  # [N, H]
    alpha = a_src[src] + a_dst[dst]  # [E, H]
    alpha = jax.nn.leaky_relu(alpha, negative_slope=0.2)
    amax = jax.ops.segment_max(alpha, dst, num_segments=N)
    alpha = jnp.exp(alpha - amax[dst])
    denom = jax.ops.segment_sum(alpha, dst, num_segments=N)
    alpha = alpha / (denom[dst] + 1e-16)
    msg = h[src] * alpha[..., None]  # [E, H, C]
    out = jax.ops.segment_sum(msg, dst, num_segments=N)  # [N, H, C]
    return out.reshape(N, heads * out_ch) + bias


def setup_inputs(seed: int = 0) -> dict:
    key = jax.random.key(seed)
    ks = jax.random.split(key, 12)
    N, E = 50000, 800000
    F_in, H1, C1 = 128, 4, 16
    H2, C2 = 1, 16
    n_classes = 3
    x = jax.random.normal(ks[0], (N, F_in), dtype=jnp.float32)
    edge_index = jax.random.randint(ks[1], (2, E), 0, N, dtype=jnp.int64)
    s1 = 1.0 / np.sqrt(F_in)
    W1 = jax.random.uniform(ks[2], (F_in, H1 * C1), jnp.float32, -s1, s1)
    att_src1 = jax.random.normal(ks[3], (1, H1, C1), dtype=jnp.float32) * 0.1
    att_dst1 = jax.random.normal(ks[4], (1, H1, C1), dtype=jnp.float32) * 0.1
    b1 = jnp.zeros((H1 * C1,), dtype=jnp.float32)
    s2 = 1.0 / np.sqrt(H1 * C1)
    W2 = jax.random.uniform(ks[5], (H1 * C1, H2 * C2), jnp.float32, -s2, s2)
    att_src2 = jax.random.normal(ks[6], (1, H2, C2), dtype=jnp.float32) * 0.1
    att_dst2 = jax.random.normal(ks[7], (1, H2, C2), dtype=jnp.float32) * 0.1
    b2 = jnp.zeros((H2 * C2,), dtype=jnp.float32)
    s3 = 1.0 / np.sqrt(C2)
    W_lin = jax.random.uniform(ks[8], (C2, n_classes), jnp.float32, -s3, s3)
    b_lin = jnp.zeros((n_classes,), dtype=jnp.float32)
    return {"x": x, "edge_index": edge_index, "W1": W1, "att_src1": att_src1,
            "att_dst1": att_dst1, "b1": b1, "W2": W2, "att_src2": att_src2,
            "att_dst2": att_dst2, "b2": b2, "W_lin": W_lin, "b_lin": b_lin}


def reference(x, edge_index, W1, att_src1, att_dst1, b1, W2, att_src2, att_dst2, b2, W_lin, b_lin):
    # dropout is identity in eval/reference mode
    h = _gat_conv(x, edge_index, W1, att_src1, att_dst1, b1, heads=4, out_ch=16)
    h = jax.nn.elu(h)
    h = _gat_conv(h, edge_index, W2, att_src2, att_dst2, b2, heads=1, out_ch=16)
    pooled = h.mean(axis=0, keepdims=True)  # batch=None path
    logits = pooled @ W_lin + b_lin
    return jax.nn.softmax(logits, axis=1)

if __name__ == "__main__":
    import jax
    _d = setup_inputs()
    print(jax.jit(kernel)(*tuple(_d.values())))

</pallas_src>

<mosaic_0001>
#map = affine_map<(d0, d1) -> (0, 0)>
module attributes {stable_mosaic.version = 14 : i64} {
  func.func @edge_kernel(%arg0: i32, %arg1: i32, %arg2: memref<6656x128xi32, #tpu.memory_space<hbm>>, %arg3: memref<6656x128xi32, #tpu.memory_space<hbm>>, %arg4: memref<50000x16xf32, #tpu.memory_space<hbm>>, %arg5: memref<50000x16xf32, #tpu.memory_space<hbm>>, %arg6: memref<50000x32xf32, #tpu.memory_space<hbm>>, %arg7: memref<25088x32xf32, #tpu.memory_space<hbm>>, %arg8: memref<50000x32xf32, #tpu.memory_space<hbm>>, %arg9: memref<4x128xi32, #tpu.memory_space<vmem>>, %arg10: memref<4x128xi32, #tpu.memory_space<vmem>>, %arg11: memref<512x16xf32, #tpu.memory_space<vmem>>, %arg12: memref<512x16xf32, #tpu.memory_space<vmem>>, %arg13: memref<512x32xf32, #tpu.memory_space<vmem>>, %arg14: memref<25088x32xf32, #tpu.memory_space<vmem_shared>>, %arg15: memref<!tpu.dma_semaphore, #tpu.memory_space<semaphore_mem>>, %arg16: memref<!tpu.dma_semaphore, #tpu.memory_space<semaphore_mem>>, %arg17: memref<!tpu.dma_semaphore, #tpu.memory_space<semaphore_mem>>) attributes {dimension_semantics = [#tpu.dimension_semantics<core_parallel>, #tpu.dimension_semantics<subcore_parallel>], iteration_bounds = array<i64: 2, 16>, scalar_prefetch = 0 : i64, scratch_operands = 9 : i64, tpu.core_type = #tpu.core_type<sc_vector_subcore>, window_params = [{transform_indices = #map}, {transform_indices = #map}, {transform_indices = #map}, {transform_indices = #map}, {transform_indices = #map}, {transform_indices = #map}, {transform_indices = #map}]} {
    %mul3A = arith.constant 25000 : i32
    %mul3A_0 = arith.muli %arg0, %mul3A : i32
    %iota3A = tpu.iota {dimensions = array<i32: 0>} : vector<16xi32>
    %lt3A = arith.constant 1 : i32
    %lt3A_1 = vector.broadcast %lt3A : i32 to vector<16xi32>
    %lt3A_2 = arith.cmpi slt, %iota3A, %lt3A_1 : vector<16xi32>
    %mul3A_3 = arith.constant 1568 : i32
    %mul3A_4 = arith.muli %arg1, %mul3A_3 : i32
    %multiple_of3A = tpu.assume_multiple %mul3A_4, 8 : i32
    "tpu.region"() ({
      %run_scoped3A = tpu.sem_alloc : memref<!tpu.dma_semaphore, #tpu.memory_space<semaphore_mem>>
      %dma_start3A = arith.constant 0 : i32
      %dma_start3A_43 = tpu.memref_slice %arg14[%multiple_of3A, %dma_start3A] : memref<25088x32xf32, #tpu.memory_space<vmem_shared>> -> memref<1568x32xf32, #tpu.memory_space<vmem_shared>>
      %dma_start3A_44 = arith.constant 0 : i32
      %dma_start3A_45 = tpu.memref_slice %arg7[%multiple_of3A, %dma_start3A_44] : memref<25088x32xf32, #tpu.memory_space<hbm>> -> memref<1568x32xf32, #tpu.memory_space<hbm>>
      tpu.enqueue_dma source(%dma_start3A_45 : memref<1568x32xf32, #tpu.memory_space<hbm>>) target(%dma_start3A_43 : memref<1568x32xf32, #tpu.memory_space<vmem_shared>>) target_semaphore(%run_scoped3A : memref<!tpu.dma_semaphore, #tpu.memory_space<semaphore_mem>>)
      %dma_wait3A = arith.constant 0 : i32
      %dma_wait3A_46 = tpu.memref_slice %arg14[%multiple_of3A, %dma_wait3A] : memref<25088x32xf32, #tpu.memory_space<vmem_shared>> -> memref<1568x32xf32, #tpu.memory_space<vmem_shared>>
      %dma_wait3A_47 = arith.constant 0 : i32
      %dma_wait3A_48 = tpu.memref_slice %arg7[%multiple_of3A, %dma_wait3A_47] : memref<25088x32xf32, #tpu.memory_space<hbm>> -> memref<1568x32xf32, #tpu.memory_space<hbm>>
      tpu.wait_dma2 semaphore(%run_scoped3A : memref<!tpu.dma_semaphore, #tpu.memory_space<semaphore_mem>>) src(%dma_wait3A_48 : memref<1568x32xf32, #tpu.memory_space<hbm>>) dst(%dma_wait3A_46 : memref<1568x32xf32, #tpu.memory_space<vmem_shared>>)
      tpu.yield
    }) : () -> ()
    %barrier3A = arith.constant 0 : index
    tpu.barrier barrier_id(%barrier3A)
    %add3A = arith.constant 25000 : i32
    %add3A_5 = arith.addi %add3A, %arg1 : i32
    %scan3A = arith.constant 0 : i32
    %scan3A_6 = arith.constant 0 : i32
    %scan3A_7 = arith.constant 104 : i32
    %scan3A_8 = arith.addi %scan3A_6, %scan3A_7 : i32
    %scan3A_9 = arith.constant 1 : i32
    scf.for %scan3A_43 = %scan3A_6 to %scan3A_8 step %scan3A_9  : i32 {
      %mul3A_44 = arith.constant 53248 : i32
      %mul3A_45 = arith.muli %arg1, %mul3A_44 : i32
      %mul3A_46 = arith.constant 512 : i32
      %mul3A_47 = arith.muli %scan3A_43, %mul3A_46 : i32
      %add3A_48 = arith.addi %mul3A_45, %mul3A_47 : i32
      %jit3A_49 = arith.constant 128 : i32
      %div3A_50 = arith.divsi %add3A_48, %jit3A_49 : i32
      %sign3A_51 = arith.constant 0 : i32
      %sign3A_52 = arith.cmpi sgt, %add3A_48, %sign3A_51 : i32
      %sign3A_53 = arith.extui %sign3A_52 : i1 to i32
      %sign3A_54 = arith.constant 0 : i32
      %sign3A_55 = arith.cmpi slt, %add3A_48, %sign3A_54 : i32
      %sign3A_56 = arith.extui %sign3A_55 : i1 to i32
      %sign3A_57 = arith.subi %sign3A_53, %sign3A_56 : i32
      %sign3A_58 = arith.constant 0 : i32
      %sign3A_59 = arith.cmpi sgt, %jit3A_49, %sign3A_58 : i32
      %sign3A_60 = arith.extui %sign3A_59 : i1 to i32
      %sign3A_61 = arith.constant 0 : i32
      %sign3A_62 = arith.cmpi slt, %jit3A_49, %sign3A_61 : i32
      %sign3A_63 = arith.extui %sign3A_62 : i1 to i32
      %sign3A_64 = arith.subi %sign3A_60, %sign3A_63 : i32
      %ne3A_65 = arith.cmpi ne, %sign3A_57, %sign3A_64 : i32
      %rem3A_66 = arith.remsi %add3A_48, %jit3A_49 : i32
      %ne3A_67 = arith.constant 0 : i32
      %ne3A_68 = arith.cmpi ne, %rem3A_66, %ne3A_67 : i32
      %and3A_69 = arith.andi %ne3A_65, %ne3A_68 : i1
      %sub3A_70 = arith.constant 1 : i32
      %sub3A_71 = arith.subi %div3A_50, %sub3A_70 : i32
      %select_n3A_72 = arith.select %and3A_69, %sub3A_71, %div3A_50 : i32
      %multiple_of3A_73 = tpu.assume_multiple %select_n3A_72, 4 : i32
      "tpu.region"() ({
        %run_scoped3A = tpu.sem_alloc : memref<!tpu.dma_semaphore, #tpu.memory_space<semaphore_mem>>
        %dma_start3A_318 = arith.constant 0 : i32
        %dma_start3A_319 = tpu.memref_slice %arg2[%multiple_of3A_73, %dma_start3A_318] : memref<6656x128xi32, #tpu.memory_space<hbm>> -> memref<4x128xi32, #tpu.memory_space<hbm>>
        %dma_start3A_320 = arith.constant 0 : i32
        %dma_start3A_321 = tpu.memref_slice %arg2[%multiple_of3A_73, %dma_start3A_320] : memref<6656x128xi32, #tpu.memory_space<hbm>> -> memref<4x128xi32, #tpu.memory_space<hbm>>
        tpu.enqueue_dma source(%dma_start3A_321 : memref<4x128xi32, #tpu.memory_space<hbm>>) target(%arg9 : memref<4x128xi32, #tpu.memory_space<vmem>>) target_semaphore(%run_scoped3A : memref<!tpu.dma_semaphore, #tpu.memory_space<semaphore_mem>>)
        %dma_wait3A_322 = arith.constant 0 : i32
        %dma_wait3A_323 = tpu.memref_slice %arg2[%multiple_of3A_73, %dma_wait3A_322] : memref<6656x128xi32, #tpu.memory_space<hbm>> -> memref<4x128xi32, #tpu.memory_space<hbm>>
        %dma_wait3A_324 = arith.constant 0 : i32
        %dma_wait3A_325 = tpu.memref_slice %arg2[%multiple_of3A_73, %dma_wait3A_324] : memref<6656x128xi32, #tpu.memory_space<hbm>> -> memref<4x128xi32, #tpu.memory_space<hbm>>
        tpu.wait_dma2 semaphore(%run_scoped3A : memref<!tpu.dma_semaphore, #tpu.memory_space<semaphore_mem>>) src(%dma_wait3A_325 : memref<4x128xi32, #tpu.memory_space<hbm>>) dst(%arg9 : memref<4x128xi32, #tpu.memory_space<vmem>>)
        tpu.yield
      }) : () -> ()
      "tpu.region"() ({
        %run_scoped3A = tpu.sem_alloc : memref<!tpu.dma_semaphore, #tpu.memory_space<semaphore_mem>>
        %dma_start3A_318 = arith.constant 0 : i32
        %dma_start3A_319 = tpu.memref_slice %arg3[%multiple_of3A_73, %dma_start3A_318] : memref<6656x128xi32, #tpu.memory_space<hbm>> -> memref<4x128xi32, #tpu.memory_space<hbm>>
        %dma_start3A_320 = arith.constant 0 : i32
        %dma_start3A_321 = tpu.memref_slice %arg3[%multiple_of3A_73, %dma_start3A_320] : memref<6656x128xi32, #tpu.memory_space<hbm>> -> memref<4x128xi32, #tpu.memory_space<hbm>>
        tpu.enqueue_dma source(%dma_start3A_321 : memref<4x128xi32, #tpu.memory_space<hbm>>) target(%arg10 : memref<4x128xi32, #tpu.memory_space<vmem>>) target_semaphore(%run_scoped3A : memref<!tpu.dma_semaphore, #tpu.memory_space<semaphore_mem>>)
        %dma_wait3A_322 = arith.constant 0 : i32
        %dma_wait3A_323 = tpu.memref_slice %arg3[%multiple_of3A_73, %dma_wait3A_322] : memref<6656x128xi32, #tpu.memory_space<hbm>> -> memref<4x128xi32, #tpu.memory_space<hbm>>
        %dma_wait3A_324 = arith.constant 0 : i32
        %dma_wait3A_325 = tpu.memref_slice %arg3[%multiple_of3A_73, %dma_wait3A_324] : memref<6656x128xi32, #tpu.memory_space<hbm>> -> memref<4x128xi32, #tpu.memory_space<hbm>>
        tpu.wait_dma2 semaphore(%run_scoped3A : memref<!tpu.dma_semaphore, #tpu.memory_space<semaphore_mem>>) src(%dma_wait3A_325 : memref<4x128xi32, #tpu.memory_space<hbm>>) dst(%arg10 : memref<4x128xi32, #tpu.memory_space<vmem>>)
        tpu.yield
      }) : () -> ()
      %dma_start3A = arith.constant 0 : i32
      %dma_start3A_74 = arith.constant 0 : i32
      %dma_start3A_75 = arith.constant 0 : i32
      %dma_start3A_76 = tpu.memref_slice %arg11[%dma_start3A_74, %dma_start3A_75] : memref<512x16xf32, #tpu.memory_space<vmem>> -> memref<128x16xf32, #tpu.memory_space<vmem>>
      %dma_start3A_77 = arith.constant 0 : i32
      %dma_start3A_78 = tpu.memref_slice %arg9[%dma_start3A, %dma_start3A_77] : memref<4x128xi32, #tpu.memory_space<vmem>> -> memref<1x128xi32, #tpu.memory_space<vmem>>
      %dma_start3A_79 = tpu.memref_squeeze %dma_start3A_78 : memref<1x128xi32, #tpu.memory_space<vmem>> -> memref<128xi32, #tpu.memory_space<vmem>>
      %dma_start3A_80 = arith.constant 0 : i32
      %dma_start3A_81 = arith.constant 0 : i32
      %dma_start3A_82 = tpu.memref_slice %arg4[%dma_start3A_80, %dma_start3A_81] : memref<50000x16xf32, #tpu.memory_space<hbm>> -> memref<50000x16xf32, #tpu.memory_space<hbm>>
      tpu.enqueue_indirect_dma source(%dma_start3A_82 : memref<50000x16xf32, #tpu.memory_space<hbm>>) target(%dma_start3A_76 : memref<128x16xf32, #tpu.memory_space<vmem>>) offsets(%dma_start3A_79 : memref<128xi32, #tpu.memory_space<vmem>>) semaphore(%arg15 : memref<!tpu.dma_semaphore, #tpu.memory_space<semaphore_mem>>)
      %dma_start3A_83 = arith.constant 0 : i32
      %dma_start3A_84 = arith.constant 0 : i32
      %dma_start3A_85 = arith.constant 0 : i32
      %dma_start3A_86 = tpu.memref_slice %arg12[%dma_start3A_84, %dma_start3A_85] : memref<512x16xf32, #tpu.memory_space<vmem>> -> memref<128x16xf32, #tpu.memory_space<vmem>>
      %dma_start3A_87 = arith.constant 0 : i32
      %dma_start3A_88 = tpu.memref_slice %arg10[%dma_start3A_83, %dma_start3A_87] : memref<4x128xi32, #tpu.memory_space<vmem>> -> memref<1x128xi32, #tpu.memory_space<vmem>>
      %dma_start3A_89 = tpu.memref_squeeze %dma_start3A_88 : memref<1x128xi32, #tpu.memory_space<vmem>> -> memref<128xi32, #tpu.memory_space<vmem>>
      %dma_start3A_90 = arith.constant 0 : i32
      %dma_start3A_91 = arith.constant 0 : i32
      %dma_start3A_92 = tpu.memref_slice %arg5[%dma_start3A_90, %dma_start3A_91] : memref<50000x16xf32, #tpu.memory_space<hbm>> -> memref<50000x16xf32, #tpu.memory_space<hbm>>
      tpu.enqueue_indirect_dma source(%dma_start3A_92 : memref<50000x16xf32, #tpu.memory_space<hbm>>) target(%dma_start3A_86 : memref<128x16xf32, #tpu.memory_space<vmem>>) offsets(%dma_start3A_89 : memref<128xi32, #tpu.memory_space<vmem>>) semaphore(%arg16 : memref<!tpu.dma_semaphore, #tpu.memory_space<semaphore_mem>>)
      %dma_start3A_93 = arith.constant 0 : i32
      %dma_start3A_94 = arith.constant 0 : i32
      %dma_start3A_95 = arith.constant 0 : i32
      %dma_start3A_96 = tpu.memref_slice %arg13[%dma_start3A_94, %dma_start3A_95] : memref<512x32xf32, #tpu.memory_space<vmem>> -> memref<128x32xf32, #tpu.memory_space<vmem>>
      %dma_start3A_97 = arith.constant 0 : i32
      %dma_start3A_98 = tpu.memref_slice %arg9[%dma_start3A_93, %dma_start3A_97] : memref<4x128xi32, #tpu.memory_space<vmem>> -> memref<1x128xi32, #tpu.memory_space<vmem>>
      %dma_start3A_99 = tpu.memref_squeeze %dma_start3A_98 : memref<1x128xi32, #tpu.memory_space<vmem>> -> memref<128xi32, #tpu.memory_space<vmem>>
      %dma_start3A_100 = arith.constant 0 : i32
      %dma_start3A_101 = arith.constant 0 : i32
      %dma_start3A_102 = tpu.memref_slice %arg6[%dma_start3A_100, %dma_start3A_101] : memref<50000x32xf32, #tpu.memory_space<hbm>> -> memref<50000x32xf32, #tpu.memory_space<hbm>>
      tpu.enqueue_indirect_dma source(%dma_start3A_102 : memref<50000x32xf32, #tpu.memory_space<hbm>>) target(%dma_start3A_96 : memref<128x32xf32, #tpu.memory_space<vmem>>) offsets(%dma_start3A_99 : memref<128xi32, #tpu.memory_space<vmem>>) semaphore(%arg17 : memref<!tpu.dma_semaphore, #tpu.memory_space<semaphore_mem>>)
      %dma_start3A_103 = arith.constant 1 : i32
      %dma_start3A_104 = arith.constant 128 : i32
      %dma_start3A_105 = arith.constant 0 : i32
      %dma_start3A_106 = tpu.memref_slice %arg11[%dma_start3A_104, %dma_start3A_105] : memref<512x16xf32, #tpu.memory_space<vmem>> -> memref<128x16xf32, #tpu.memory_space<vmem>>
      %dma_start3A_107 = arith.constant 0 : i32
      %dma_start3A_108 = tpu.memref_slice %arg9[%dma_start3A_103, %dma_start3A_107] : memref<4x128xi32, #tpu.memory_space<vmem>> -> memref<1x128xi32, #tpu.memory_space<vmem>>
      %dma_start3A_109 = tpu.memref_squeeze %dma_start3A_108 : memref<1x128xi32, #tpu.memory_space<vmem>> -> memref<128xi32, #tpu.memory_space<vmem>>
      %dma_start3A_110 = arith.constant 0 : i32
      %dma_start3A_111 = arith.constant 0 : i32
      %dma_start3A_112 = tpu.memref_slice %arg4[%dma_start3A_110, %dma_start3A_111] : memref<50000x16xf32, #tpu.memory_space<hbm>> -> memref<50000x16xf32, #tpu.memory_space<hbm>>
      tpu.enqueue_indirect_dma source(%dma_start3A_112 : memref<50000x16xf32, #tpu.memory_space<hbm>>) target(%dma_start3A_106 : memref<128x16xf32, #tpu.memory_space<vmem>>) offsets(%dma_start3A_109 : memref<128xi32, #tpu.memory_space<vmem>>) semaphore(%arg15 : memref<!tpu.dma_semaphore, #tpu.memory_space<semaphore_mem>>)
      %dma_start3A_113 = arith.constant 1 : i32
      %dma_start3A_114 = arith.constant 128 : i32
      %dma_start3A_115 = arith.constant 0 : i32
      %dma_start3A_116 = tpu.memref_slice %arg12[%dma_start3A_114, %dma_start3A_115] : memref<512x16xf32, #tpu.memory_space<vmem>> -> memref<128x16xf32, #tpu.memory_space<vmem>>
      %dma_start3A_117 = arith.constant 0 : i32
      %dma_start3A_118 = tpu.memref_slice %arg10[%dma_start3A_113, %dma_start3A_117] : memref<4x128xi32, #tpu.memory_space<vmem>> -> memref<1x128xi32, #tpu.memory_space<vmem>>
      %dma_start3A_119 = tpu.memref_squeeze %dma_start3A_118 : memref<1x128xi32, #tpu.memory_space<vmem>> -> memref<128xi32, #tpu.memory_space<vmem>>
      %dma_start3A_120 = arith.constant 0 : i32
      %dma_start3A_121 = arith.constant 0 : i32
      %dma_start3A_122 = tpu.memref_slice %arg5[%dma_start3A_120, %dma_start3A_121] : memref<50000x16xf32, #tpu.memory_space<hbm>> -> memref<50000x16xf32, #tpu.memory_space<hbm>>
      tpu.enqueue_indirect_dma source(%dma_start3A_122 : memref<50000x16xf32, #tpu.memory_space<hbm>>) target(%dma_start3A_116 : memref<128x16xf32, #tpu.memory_space<vmem>>) offsets(%dma_start3A_119 : memref<128xi32, #tpu.memory_space<vmem>>) semaphore(%arg16 : memref<!tpu.dma_semaphore, #tpu.memory_space<semaphore_mem>>)
      %dma_start3A_123 = arith.constant 1 : i32
      %dma_start3A_124 = arith.constant 128 : i32
      %dma_start3A_125 = arith.constant 0 : i32
      %dma_start3A_126 = tpu.memref_slice %arg13[%dma_start3A_124, %dma_start3A_125] : memref<512x32xf32, #tpu.memory_space<vmem>> -> memref<128x32xf32, #tpu.memory_space<vmem>>
      %dma_start3A_127 = arith.constant 0 : i32
      %dma_start3A_128 = tpu.memref_slice %arg9[%dma_start3A_123, %dma_start3A_127] : memref<4x128xi32, #tpu.memory_space<vmem>> -> memref<1x128xi32, #tpu.memory_space<vmem>>
      %dma_start3A_129 = tpu.memref_squeeze %dma_start3A_128 : memref<1x128xi32, #tpu.memory_space<vmem>> -> memref<128xi32, #tpu.memory_space<vmem>>
      %dma_start3A_130 = arith.constant 0 : i32
      %dma_start3A_131 = arith.constant 0 : i32
      %dma_start3A_132 = tpu.memref_slice %arg6[%dma_start3A_130, %dma_start3A_131] : memref<50000x32xf32, #tpu.memory_space<hbm>> -> memref<50000x32xf32, #tpu.memory_space<hbm>>
      tpu.enqueue_indirect_dma source(%dma_start3A_132 : memref<50000x32xf32, #tpu.memory_space<hbm>>) target(%dma_start3A_126 : memref<128x32xf32, #tpu.memory_space<vmem>>) offsets(%dma_start3A_129 : memref<128xi32, #tpu.memory_space<vmem>>) semaphore(%arg17 : memref<!tpu.dma_semaphore, #tpu.memory_space<semaphore_mem>>)
      %dma_start3A_133 = arith.constant 2 : i32
      %dma_start3A_134 = arith.constant 256 : i32
      %dma_start3A_135 = arith.constant 0 : i32
      %dma_start3A_136 = tpu.memref_slice %arg11[%dma_start3A_134, %dma_start3A_135] : memref<512x16xf32, #tpu.memory_space<vmem>> -> memref<128x16xf32, #tpu.memory_space<vmem>>
      %dma_start3A_137 = arith.constant 0 : i32
      %dma_start3A_138 = tpu.memref_slice %arg9[%dma_start3A_133, %dma_start3A_137] : memref<4x128xi32, #tpu.memory_space<vmem>> -> memref<1x128xi32, #tpu.memory_space<vmem>>
      %dma_start3A_139 = tpu.memref_squeeze %dma_start3A_138 : memref<1x128xi32, #tpu.memory_space<vmem>> -> memref<128xi32, #tpu.memory_space<vmem>>
      %dma_start3A_140 = arith.constant 0 : i32
      %dma_start3A_141 = arith.constant 0 : i32
      %dma_start3A_142 = tpu.memref_slice %arg4[%dma_start3A_140, %dma_start3A_141] : memref<50000x16xf32, #tpu.memory_space<hbm>> -> memref<50000x16xf32, #tpu.memory_space<hbm>>
      tpu.enqueue_indirect_dma source(%dma_start3A_142 : memref<50000x16xf32, #tpu.memory_space<hbm>>) target(%dma_start3A_136 : memref<128x16xf32, #tpu.memory_space<vmem>>) offsets(%dma_start3A_139 : memref<128xi32, #tpu.memory_space<vmem>>) semaphore(%arg15 : memref<!tpu.dma_semaphore, #tpu.memory_space<semaphore_mem>>)
      %dma_start3A_143 = arith.constant 2 : i32
      %dma_start3A_144 = arith.constant 256 : i32
      %dma_start3A_145 = arith.constant 0 : i32
      %dma_start3A_146 = tpu.memref_slice %arg12[%dma_start3A_144, %dma_start3A_145] : memref<512x16xf32, #tpu.memory_space<vmem>> -> memref<128x16xf32, #tpu.memory_space<vmem>>
      %dma_start3A_147 = arith.constant 0 : i32
      %dma_start3A_148 = tpu.memref_slice %arg10[%dma_start3A_143, %dma_start3A_147] : memref<4x128xi32, #tpu.memory_space<vmem>> -> memref<1x128xi32, #tpu.memory_space<vmem>>
      %dma_start3A_149 = tpu.memref_squeeze %dma_start3A_148 : memref<1x128xi32, #tpu.memory_space<vmem>> -> memref<128xi32, #tpu.memory_space<vmem>>
      %dma_start3A_150 = arith.constant 0 : i32
      %dma_start3A_151 = arith.constant 0 : i32
      %dma_start3A_152 = tpu.memref_slice %arg5[%dma_start3A_150, %dma_start3A_151] : memref<50000x16xf32, #tpu.memory_space<hbm>> -> memref<50000x16xf32, #tpu.memory_space<hbm>>
      tpu.enqueue_indirect_dma source(%dma_start3A_152 : memref<50000x16xf32, #tpu.memory_space<hbm>>) target(%dma_start3A_146 : memref<128x16xf32, #tpu.memory_space<vmem>>) offsets(%dma_start3A_149 : memref<128xi32, #tpu.memory_space<vmem>>) semaphore(%arg16 : memref<!tpu.dma_semaphore, #tpu.memory_space<semaphore_mem>>)
      %dma_start3A_153 = arith.constant 2 : i32
      %dma_start3A_154 = arith.constant 256 : i32
      %dma_start3A_155 = arith.constant 0 : i32
      %dma_start3A_156 = tpu.memref_slice %arg13[%dma_start3A_154, %dma_start3A_155] : memref<512x32xf32, #tpu.memory_space<vmem>> -> memref<128x32xf32, #tpu.memory_space<vmem>>
      %dma_start3A_157 = arith.constant 0 : i32
      %dma_start3A_158 = tpu.memref_slice %arg9[%dma_start3A_153, %dma_start3A_157] : memref<4x128xi32, #tpu.memory_space<vmem>> -> memref<1x128xi32, #tpu.memory_space<vmem>>
      %dma_start3A_159 = tpu.memref_squeeze %dma_start3A_158 : memref<1x128xi32, #tpu.memory_space<vmem>> -> memref<128xi32, #tpu.memory_space<vmem>>
      %dma_start3A_160 = arith.constant 0 : i32
      %dma_start3A_161 = arith.constant 0 : i32
      %dma_start3A_162 = tpu.memref_slice %arg6[%dma_start3A_160, %dma_start3A_161] : memref<50000x32xf32, #tpu.memory_space<hbm>> -> memref<50000x32xf32, #tpu.memory_space<hbm>>
      tpu.enqueue_indirect_dma source(%dma_start3A_162 : memref<50000x32xf32, #tpu.memory_space<hbm>>) target(%dma_start3A_156 : memref<128x32xf32, #tpu.memory_space<vmem>>) offsets(%dma_start3A_159 : memref<128xi32, #tpu.memory_space<vmem>>) semaphore(%arg17 : memref<!tpu.dma_semaphore, #tpu.memory_space<semaphore_mem>>)
      %dma_start3A_163 = arith.constant 3 : i32
      %dma_start3A_164 = arith.constant 384 : i32
      %dma_start3A_165 = arith.constant 0 : i32
      %dma_start3A_166 = tpu.memref_slice %arg11[%dma_start3A_164, %dma_start3A_165] : memref<512x16xf32, #tpu.memory_space<vmem>> -> memref<128x16xf32, #tpu.memory_space<vmem>>
      %dma_start3A_167 = arith.constant 0 : i32
      %dma_start3A_168 = tpu.memref_slice %arg9[%dma_start3A_163, %dma_start3A_167] : memref<4x128xi32, #tpu.memory_space<vmem>> -> memref<1x128xi32, #tpu.memory_space<vmem>>
      %dma_start3A_169 = tpu.memref_squeeze %dma_start3A_168 : memref<1x128xi32, #tpu.memory_space<vmem>> -> memref<128xi32, #tpu.memory_space<vmem>>
      %dma_start3A_170 = arith.constant 0 : i32
      %dma_start3A_171 = arith.constant 0 : i32
      %dma_start3A_172 = tpu.memref_slice %arg4[%dma_start3A_170, %dma_start3A_171] : memref<50000x16xf32, #tpu.memory_space<hbm>> -> memref<50000x16xf32, #tpu.memory_space<hbm>>
      tpu.enqueue_indirect_dma source(%dma_start3A_172 : memref<50000x16xf32, #tpu.memory_space<hbm>>) target(%dma_start3A_166 : memref<128x16xf32, #tpu.memory_space<vmem>>) offsets(%dma_start3A_169 : memref<128xi32, #tpu.memory_space<vmem>>) semaphore(%arg15 : memref<!tpu.dma_semaphore, #tpu.memory_space<semaphore_mem>>)
      %dma_start3A_173 = arith.constant 3 : i32
      %dma_start3A_174 = arith.constant 384 : i32
      %dma_start3A_175 = arith.constant 0 : i32
      %dma_start3A_176 = tpu.memref_slice %arg12[%dma_start3A_174, %dma_start3A_175] : memref<512x16xf32, #tpu.memory_space<vmem>> -> memref<128x16xf32, #tpu.memory_space<vmem>>
      %dma_start3A_177 = arith.constant 0 : i32
      %dma_start3A_178 = tpu.memref_slice %arg10[%dma_start3A_173, %dma_start3A_177] : memref<4x128xi32, #tpu.memory_space<vmem>> -> memref<1x128xi32, #tpu.memory_space<vmem>>
      %dma_start3A_179 = tpu.memref_squeeze %dma_start3A_178 : memref<1x128xi32, #tpu.memory_space<vmem>> -> memref<128xi32, #tpu.memory_space<vmem>>
      %dma_start3A_180 = arith.constant 0 : i32
      %dma_start3A_181 = arith.constant 0 : i32
      %dma_start3A_182 = tpu.memref_slice %arg5[%dma_start3A_180, %dma_start3A_181] : memref<50000x16xf32, #tpu.memory_space<hbm>> -> memref<50000x16xf32, #tpu.memory_space<hbm>>
      tpu.enqueue_indirect_dma source(%dma_start3A_182 : memref<50000x16xf32, #tpu.memory_space<hbm>>) target(%dma_start3A_176 : memref<128x16xf32, #tpu.memory_space<vmem>>) offsets(%dma_start3A_179 : memref<128xi32, #tpu.memory_space<vmem>>) semaphore(%arg16 : memref<!tpu.dma_semaphore, #tpu.memory_space<semaphore_mem>>)
      %dma_start3A_183 = arith.constant 3 : i32
      %dma_start3A_184 = arith.constant 384 : i32
      %dma_start3A_185 = arith.constant 0 : i32
      %dma_start3A_186 = tpu.memref_slice %arg13[%dma_start3A_184, %dma_start3A_185] : memref<512x32xf32, #tpu.memory_space<vmem>> -> memref<128x32xf32, #tpu.memory_space<vmem>>
      %dma_start3A_187 = arith.constant 0 : i32
      %dma_start3A_188 = tpu.memref_slice %arg9[%dma_start3A_183, %dma_start3A_187] : memref<4x128xi32, #tpu.memory_space<vmem>> -> memref<1x128xi32, #tpu.memory_space<vmem>>
      %dma_start3A_189 = tpu.memref_squeeze %dma_start3A_188 : memref<1x128xi32, #tpu.memory_space<vmem>> -> memref<128xi32, #tpu.memory_space<vmem>>
      %dma_start3A_190 = arith.constant 0 : i32
      %dma_start3A_191 = arith.constant 0 : i32
      %dma_start3A_192 = tpu.memref_slice %arg6[%dma_start3A_190, %dma_start3A_191] : memref<50000x32xf32, #tpu.memory_space<hbm>> -> memref<50000x32xf32, #tpu.memory_space<hbm>>
      tpu.enqueue_indirect_dma source(%dma_start3A_192 : memref<50000x32xf32, #tpu.memory_space<hbm>>) target(%dma_start3A_186 : memref<128x32xf32, #tpu.memory_space<vmem>>) offsets(%dma_start3A_189 : memref<128xi32, #tpu.memory_space<vmem>>) semaphore(%arg17 : memref<!tpu.dma_semaphore, #tpu.memory_space<semaphore_mem>>)
      %dma_wait3A = arith.constant 0 : i32
      %dma_wait3A_193 = arith.constant 0 : i32
      %dma_wait3A_194 = arith.constant 0 : i32
      %dma_wait3A_195 = tpu.memref_slice %arg11[%dma_wait3A_193, %dma_wait3A_194] : memref<512x16xf32, #tpu.memory_space<vmem>> -> memref<128x16xf32, #tpu.memory_space<vmem>>
      %dma_wait3A_196 = arith.constant 0 : i32
      %dma_wait3A_197 = tpu.memref_slice %arg9[%dma_wait3A, %dma_wait3A_196] : memref<4x128xi32, #tpu.memory_space<vmem>> -> memref<1x128xi32, #tpu.memory_space<vmem>>
      %dma_wait3A_198 = tpu.memref_squeeze %dma_wait3A_197 : memref<1x128xi32, #tpu.memory_space<vmem>> -> memref<128xi32, #tpu.memory_space<vmem>>
      %dma_wait3A_199 = arith.constant 0 : i32
      %dma_wait3A_200 = arith.constant 0 : i32
      %dma_wait3A_201 = tpu.memref_slice %arg4[%dma_wait3A_199, %dma_wait3A_200] : memref<50000x16xf32, #tpu.memory_space<hbm>> -> memref<50000x16xf32, #tpu.memory_space<hbm>>
      tpu.wait_indirect_dma semaphore(%arg15 : memref<!tpu.dma_semaphore, #tpu.memory_space<semaphore_mem>>) src(%dma_wait3A_201 : memref<50000x16xf32, #tpu.memory_space<hbm>>) dst(%dma_wait3A_195 : memref<128x16xf32, #tpu.memory_space<vmem>>)
      %dma_wait3A_202 = arith.constant 0 : i32
      %dma_wait3A_203 = arith.constant 0 : i32
      %dma_wait3A_204 = arith.constant 0 : i32
      %dma_wait3A_205 = tpu.memref_slice %arg12[%dma_wait3A_203, %dma_wait3A_204] : memref<512x16xf32, #tpu.memory_space<vmem>> -> memref<128x16xf32, #tpu.memory_space<vmem>>
      %dma_wait3A_206 = arith.constant 0 : i32
      %dma_wait3A_207 = tpu.memref_slice %arg10[%dma_wait3A_202, %dma_wait3A_206] : memref<4x128xi32, #tpu.memory_space<vmem>> -> memref<1x128xi32, #tpu.memory_space<vmem>>
      %dma_wait3A_208 = tpu.memref_squeeze %dma_wait3A_207 : memref<1x128xi32, #tpu.memory_space<vmem>> -> memref<128xi32, #tpu.memory_space<vmem>>
      %dma_wait3A_209 = arith.constant 0 : i32
      %dma_wait3A_210 = arith.constant 0 : i32
      %dma_wait3A_211 = tpu.memref_slice %arg5[%dma_wait3A_209, %dma_wait3A_210] : memref<50000x16xf32, #tpu.memory_space<hbm>> -> memref<50000x16xf32, #tpu.memory_space<hbm>>
      tpu.wait_indirect_dma semaphore(%arg16 : memref<!tpu.dma_semaphore, #tpu.memory_space<semaphore_mem>>) src(%dma_wait3A_211 : memref<50000x16xf32, #tpu.memory_space<hbm>>) dst(%dma_wait3A_205 : memref<128x16xf32, #tpu.memory_space<vmem>>)
      %dma_wait3A_212 = arith.constant 0 : i32
      %dma_wait3A_213 = arith.constant 0 : i32
      %dma_wait3A_214 = arith.constant 0 : i32
      %dma_wait3A_215 = tpu.memref_slice %arg13[%dma_wait3A_213, %dma_wait3A_214] : memref<512x32xf32, #tpu.memory_space<vmem>> -> memref<128x32xf32, #tpu.memory_space<vmem>>
      %dma_wait3A_216 = arith.constant 0 : i32
      %dma_wait3A_217 = tpu.memref_slice %arg9[%dma_wait3A_212, %dma_wait3A_216] : memref<4x128xi32, #tpu.memory_space<vmem>> -> memref<1x128xi32, #tpu.memory_space<vmem>>
      %dma_wait3A_218 = tpu.memref_squeeze %dma_wait3A_217 : memref<1x128xi32, #tpu.memory_space<vmem>> -> memref<128xi32, #tpu.memory_space<vmem>>
      %dma_wait3A_219 = arith.constant 0 : i32
      %dma_wait3A_220 = arith.constant 0 : i32
      %dma_wait3A_221 = tpu.memref_slice %arg6[%dma_wait3A_219, %dma_wait3A_220] : memref<50000x32xf32, #tpu.memory_space<hbm>> -> memref<50000x32xf32, #tpu.memory_space<hbm>>
      tpu.wait_indirect_dma semaphore(%arg17 : memref<!tpu.dma_semaphore, #tpu.memory_space<semaphore_mem>>) src(%dma_wait3A_221 : memref<50000x32xf32, #tpu.memory_space<hbm>>) dst(%dma_wait3A_215 : memref<128x32xf32, #tpu.memory_space<vmem>>)
      %dma_wait3A_222 = arith.constant 1 : i32
      %dma_wait3A_223 = arith.constant 128 : i32
      %dma_wait3A_224 = arith.constant 0 : i32
      %dma_wait3A_225 = tpu.memref_slice %arg11[%dma_wait3A_223, %dma_wait3A_224] : memref<512x16xf32, #tpu.memory_space<vmem>> -> memref<128x16xf32, #tpu.memory_space<vmem>>
      %dma_wait3A_226 = arith.constant 0 : i32
      %dma_wait3A_227 = tpu.memref_slice %arg9[%dma_wait3A_222, %dma_wait3A_226] : memref<4x128xi32, #tpu.memory_space<vmem>> -> memref<1x128xi32, #tpu.memory_space<vmem>>
      %dma_wait3A_228 = tpu.memref_squeeze %dma_wait3A_227 : memref<1x128xi32, #tpu.memory_space<vmem>> -> memref<128xi32, #tpu.memory_space<vmem>>
      %dma_wait3A_229 = arith.constant 0 : i32
      %dma_wait3A_230 = arith.constant 0 : i32
      %dma_wait3A_231 = tpu.memref_slice %arg4[%dma_wait3A_229, %dma_wait3A_230] : memref<50000x16xf32, #tpu.memory_space<hbm>> -> memref<50000x16xf32, #tpu.memory_space<hbm>>
      tpu.wait_indirect_dma semaphore(%arg15 : memref<!tpu.dma_semaphore, #tpu.memory_space<semaphore_mem>>) src(%dma_wait3A_231 : memref<50000x16xf32, #tpu.memory_space<hbm>>) dst(%dma_wait3A_225 : memref<128x16xf32, #tpu.memory_space<vmem>>)
      %dma_wait3A_232 = arith.constant 1 : i32
      %dma_wait3A_233 = arith.constant 128 : i32
      %dma_wait3A_234 = arith.constant 0 : i32
      %dma_wait3A_235 = tpu.memref_slice %arg12[%dma_wait3A_233, %dma_wait3A_234] : memref<512x16xf32, #tpu.memory_space<vmem>> -> memref<128x16xf32, #tpu.memory_space<vmem>>
      %dma_wait3A_236 = arith.constant 0 : i32
      %dma_wait3A_237 = tpu.memref_slice %arg10[%dma_wait3A_232, %dma_wait3A_236] : memref<4x128xi32, #tpu.memory_space<vmem>> -> memref<1x128xi32, #tpu.memory_space<vmem>>
      %dma_wait3A_238 = tpu.memref_squeeze %dma_wait3A_237 : memref<1x128xi32, #tpu.memory_space<vmem>> -> memref<128xi32, #tpu.memory_space<vmem>>
      %dma_wait3A_239 = arith.constant 0 : i32
      %dma_wait3A_240 = arith.constant 0 : i32
      %dma_wait3A_241 = tpu.memref_slice %arg5[%dma_wait3A_239, %dma_wait3A_240] : memref<50000x16xf32, #tpu.memory_space<hbm>> -> memref<50000x16xf32, #tpu.memory_space<hbm>>
      tpu.wait_indirect_dma semaphore(%arg16 : memref<!tpu.dma_semaphore, #tpu.memory_space<semaphore_mem>>) src(%dma_wait3A_241 : memref<50000x16xf32, #tpu.memory_space<hbm>>) dst(%dma_wait3A_235 : memref<128x16xf32, #tpu.memory_space<vmem>>)
      %dma_wait3A_242 = arith.constant 1 : i32
      %dma_wait3A_243 = arith.constant 128 : i32
      %dma_wait3A_244 = arith.constant 0 : i32
      %dma_wait3A_245 = tpu.memref_slice %arg13[%dma_wait3A_243, %dma_wait3A_244] : memref<512x32xf32, #tpu.memory_space<vmem>> -> memref<128x32xf32, #tpu.memory_space<vmem>>
      %dma_wait3A_246 = arith.constant 0 : i32
      %dma_wait3A_247 = tpu.memref_slice %arg9[%dma_wait3A_242, %dma_wait3A_246] : memref<4x128xi32, #tpu.memory_space<vmem>> -> memref<1x128xi32, #tpu.memory_space<vmem>>
      %dma_wait3A_248 = tpu.memref_squeeze %dma_wait3A_247 : memref<1x128xi32, #tpu.memory_space<vmem>> -> memref<128xi32, #tpu.memory_space<vmem>>
      %dma_wait3A_249 = arith.constant 0 : i32
      %dma_wait3A_250 = arith.constant 0 : i32
      %dma_wait3A_251 = tpu.memref_slice %arg6[%dma_wait3A_249, %dma_wait3A_250] : memref<50000x32xf32, #tpu.memory_space<hbm>> -> memref<50000x32xf32, #tpu.memory_space<hbm>>
      tpu.wait_indirect_dma semaphore(%arg17 : memref<!tpu.dma_semaphore, #tpu.memory_space<semaphore_mem>>) src(%dma_wait3A_251 : memref<50000x32xf32, #tpu.memory_space<hbm>>) dst(%dma_wait3A_245 : memref<128x32xf32, #tpu.memory_space<vmem>>)
      %dma_wait3A_252 = arith.constant 2 : i32
      %dma_wait3A_253 = arith.constant 256 : i32
      %dma_wait3A_254 = arith.constant 0 : i32
      %dma_wait3A_255 = tpu.memref_slice %arg11[%dma_wait3A_253, %dma_wait3A_254] : memref<512x16xf32, #tpu.memory_space<vmem>> -> memref<128x16xf32, #tpu.memory_space<vmem>>
      %dma_wait3A_256 = arith.constant 0 : i32
      %dma_wait3A_257 = tpu.memref_slice %arg9[%dma_wait3A_252, %dma_wait3A_256] : memref<4x128xi32, #tpu.memory_space<vmem>> -> memref<1x128xi32, #tpu.memory_space<vmem>>
      %dma_wait3A_258 = tpu.memref_squeeze %dma_wait3A_257 : memref<1x128xi32, #tpu.memory_space<vmem>> -> memref<128xi32, #tpu.memory_space<vmem>>
      %dma_wait3A_259 = arith.constant 0 : i32
      %dma_wait3A_260 = arith.constant 0 : i32
      %dma_wait3A_261 = tpu.memref_slice %arg4[%dma_wait3A_259, %dma_wait3A_260] : memref<50000x16xf32, #tpu.memory_space<hbm>> -> memref<50000x16xf32, #tpu.memory_space<hbm>>
      tpu.wait_indirect_dma semaphore(%arg15 : memref<!tpu.dma_semaphore, #tpu.memory_space<semaphore_mem>>) src(%dma_wait3A_261 : memref<50000x16xf32, #tpu.memory_space<hbm>>) dst(%dma_wait3A_255 : memref<128x16xf32, #tpu.memory_space<vmem>>)
      %dma_wait3A_262 = arith.constant 2 : i32
      %dma_wait3A_263 = arith.constant 256 : i32
      %dma_wait3A_264 = arith.constant 0 : i32
      %dma_wait3A_265 = tpu.memref_slice %arg12[%dma_wait3A_263, %dma_wait3A_264] : memref<512x16xf32, #tpu.memory_space<vmem>> -> memref<128x16xf32, #tpu.memory_space<vmem>>
      %dma_wait3A_266 = arith.constant 0 : i32
      %dma_wait3A_267 = tpu.memref_slice %arg10[%dma_wait3A_262, %dma_wait3A_266] : memref<4x128xi32, #tpu.memory_space<vmem>> -> memref<1x128xi32, #tpu.memory_space<vmem>>
      %dma_wait3A_268 = tpu.memref_squeeze %dma_wait3A_267 : memref<1x128xi32, #tpu.memory_space<vmem>> -> memref<128xi32, #tpu.memory_space<vmem>>
      %dma_wait3A_269 = arith.constant 0 : i32
      %dma_wait3A_270 = arith.constant 0 : i32
      %dma_wait3A_271 = tpu.memref_slice %arg5[%dma_wait3A_269, %dma_wait3A_270] : memref<50000x16xf32, #tpu.memory_space<hbm>> -> memref<50000x16xf32, #tpu.memory_space<hbm>>
      tpu.wait_indirect_dma semaphore(%arg16 : memref<!tpu.dma_semaphore, #tpu.memory_space<semaphore_mem>>) src(%dma_wait3A_271 : memref<50000x16xf32, #tpu.memory_space<hbm>>) dst(%dma_wait3A_265 : memref<128x16xf32, #tpu.memory_space<vmem>>)
      %dma_wait3A_272 = arith.constant 2 : i32
      %dma_wait3A_273 = arith.constant 256 : i32
      %dma_wait3A_274 = arith.constant 0 : i32
      %dma_wait3A_275 = tpu.memref_slice %arg13[%dma_wait3A_273, %dma_wait3A_274] : memref<512x32xf32, #tpu.memory_space<vmem>> -> memref<128x32xf32, #tpu.memory_space<vmem>>
      %dma_wait3A_276 = arith.constant 0 : i32
      %dma_wait3A_277 = tpu.memref_slice %arg9[%dma_wait3A_272, %dma_wait3A_276] : memref<4x128xi32, #tpu.memory_space<vmem>> -> memref<1x128xi32, #tpu.memory_space<vmem>>
      %dma_wait3A_278 = tpu.memref_squeeze %dma_wait3A_277 : memref<1x128xi32, #tpu.memory_space<vmem>> -> memref<128xi32, #tpu.memory_space<vmem>>
      %dma_wait3A_279 = arith.constant 0 : i32
      %dma_wait3A_280 = arith.constant 0 : i32
      %dma_wait3A_281 = tpu.memref_slice %arg6[%dma_wait3A_279, %dma_wait3A_280] : memref<50000x32xf32, #tpu.memory_space<hbm>> -> memref<50000x32xf32, #tpu.memory_space<hbm>>
      tpu.wait_indirect_dma semaphore(%arg17 : memref<!tpu.dma_semaphore, #tpu.memory_space<semaphore_mem>>) src(%dma_wait3A_281 : memref<50000x32xf32, #tpu.memory_space<hbm>>) dst(%dma_wait3A_275 : memref<128x32xf32, #tpu.memory_space<vmem>>)
      %dma_wait3A_282 = arith.constant 3 : i32
      %dma_wait3A_283 = arith.constant 384 : i32
      %dma_wait3A_284 = arith.constant 0 : i32
      %dma_wait3A_285 = tpu.memref_slice %arg11[%dma_wait3A_283, %dma_wait3A_284] : memref<512x16xf32, #tpu.memory_space<vmem>> -> memref<128x16xf32, #tpu.memory_space<vmem>>
      %dma_wait3A_286 = arith.constant 0 : i32
      %dma_wait3A_287 = tpu.memref_slice %arg9[%dma_wait3A_282, %dma_wait3A_286] : memref<4x128xi32, #tpu.memory_space<vmem>> -> memref<1x128xi32, #tpu.memory_space<vmem>>
      %dma_wait3A_288 = tpu.memref_squeeze %dma_wait3A_287 : memref<1x128xi32, #tpu.memory_space<vmem>> -> memref<128xi32, #tpu.memory_space<vmem>>
      %dma_wait3A_289 = arith.constant 0 : i32
      %dma_wait3A_290 = arith.constant 0 : i32
      %dma_wait3A_291 = tpu.memref_slice %arg4[%dma_wait3A_289, %dma_wait3A_290] : memref<50000x16xf32, #tpu.memory_space<hbm>> -> memref<50000x16xf32, #tpu.memory_space<hbm>>
      tpu.wait_indirect_dma semaphore(%arg15 : memref<!tpu.dma_semaphore, #tpu.memory_space<semaphore_mem>>) src(%dma_wait3A_291 : memref<50000x16xf32, #tpu.memory_space<hbm>>) dst(%dma_wait3A_285 : memref<128x16xf32, #tpu.memory_space<vmem>>)
      %dma_wait3A_292 = arith.constant 3 : i32
      %dma_wait3A_293 = arith.constant 384 : i32
      %dma_wait3A_294 = arith.constant 0 : i32
      %dma_wait3A_295 = tpu.memref_slice %arg12[%dma_wait3A_293, %dma_wait3A_294] : memref<512x16xf32, #tpu.memory_space<vmem>> -> memref<128x16xf32, #tpu.memory_space<vmem>>
      %dma_wait3A_296 = arith.constant 0 : i32
      %dma_wait3A_297 = tpu.memref_slice %arg10[%dma_wait3A_292, %dma_wait3A_296] : memref<4x128xi32, #tpu.memory_space<vmem>> -> memref<1x128xi32, #tpu.memory_space<vmem>>
      %dma_wait3A_298 = tpu.memref_squeeze %dma_wait3A_297 : memref<1x128xi32, #tpu.memory_space<vmem>> -> memref<128xi32, #tpu.memory_space<vmem>>
      %dma_wait3A_299 = arith.constant 0 : i32
      %dma_wait3A_300 = arith.constant 0 : i32
      %dma_wait3A_301 = tpu.memref_slice %arg5[%dma_wait3A_299, %dma_wait3A_300] : memref<50000x16xf32, #tpu.memory_space<hbm>> -> memref<50000x16xf32, #tpu.memory_space<hbm>>
      tpu.wait_indirect_dma semaphore(%arg16 : memref<!tpu.dma_semaphore, #tpu.memory_space<semaphore_mem>>) src(%dma_wait3A_301 : memref<50000x16xf32, #tpu.memory_space<hbm>>) dst(%dma_wait3A_295 : memref<128x16xf32, #tpu.memory_space<vmem>>)
      %dma_wait3A_302 = arith.constant 3 : i32
      %dma_wait3A_303 = arith.constant 384 : i32
      %dma_wait3A_304 = arith.constant 0 : i32
      %dma_wait3A_305 = tpu.memref_slice %arg13[%dma_wait3A_303, %dma_wait3A_304] : memref<512x32xf32, #tpu.memory_space<vmem>> -> memref<128x32xf32, #tpu.memory_space<vmem>>
      %dma_wait3A_306 = arith.constant 0 : i32
      %dma_wait3A_307 = tpu.memref_slice %arg9[%dma_wait3A_302, %dma_wait3A_306] : memref<4x128xi32, #tpu.memory_space<vmem>> -> memref<1x128xi32, #tpu.memory_space<vmem>>
      %dma_wait3A_308 = tpu.memref_squeeze %dma_wait3A_307 : memref<1x128xi32, #tpu.memory_space<vmem>> -> memref<128xi32, #tpu.memory_space<vmem>>
      %dma_wait3A_309 = arith.constant 0 : i32
      %dma_wait3A_310 = arith.constant 0 : i32
      %dma_wait3A_311 = tpu.memref_slice %arg6[%dma_wait3A_309, %dma_wait3A_310] : memref<50000x32xf32, #tpu.memory_space<hbm>> -> memref<50000x32xf32, #tpu.memory_space<hbm>>
      tpu.wait_indirect_dma semaphore(%arg17 : memref<!tpu.dma_semaphore, #tpu.memory_space<semaphore_mem>>) src(%dma_wait3A_311 : memref<50000x32xf32, #tpu.memory_space<hbm>>) dst(%dma_wait3A_305 : memref<128x32xf32, #tpu.memory_space<vmem>>)
      %scan3A_312 = arith.constant 0 : i32
      %scan3A_313 = arith.constant 0 : i32
      %scan3A_314 = arith.constant 32 : i32
      %scan3A_315 = arith.addi %scan3A_313, %scan3A_314 : i32
      %scan3A_316 = arith.constant 1 : i32
      scf.for %scan3A_318 = %scan3A_313 to %scan3A_315 step %scan3A_316  : i32 {
        %jit3A_319 = arith.constant 8 : i32
        %div3A_320 = arith.divsi %scan3A_318, %jit3A_319 : i32
        %sign3A_321 = arith.constant 0 : i32
        %sign3A_322 = arith.cmpi sgt, %scan3A_318, %sign3A_321 : i32
        %sign3A_323 = arith.extui %sign3A_322 : i1 to i32
        %sign3A_324 = arith.constant 0 : i32
        %sign3A_325 = arith.cmpi slt, %scan3A_318, %sign3A_324 : i32
        %sign3A_326 = arith.extui %sign3A_325 : i1 to i32
        %sign3A_327 = arith.subi %sign3A_323, %sign3A_326 : i32
        %sign3A_328 = arith.constant 0 : i32
        %sign3A_329 = arith.cmpi sgt, %jit3A_319, %sign3A_328 : i32
        %sign3A_330 = arith.extui %sign3A_329 : i1 to i32
        %sign3A_331 = arith.constant 0 : i32
        %sign3A_332 = arith.cmpi slt, %jit3A_319, %sign3A_331 : i32
        %sign3A_333 = arith.extui %sign3A_332 : i1 to i32
        %sign3A_334 = arith.subi %sign3A_330, %sign3A_333 : i32
        %ne3A_335 = arith.cmpi ne, %sign3A_327, %sign3A_334 : i32
        %rem3A_336 = arith.remsi %scan3A_318, %jit3A_319 : i32
        %ne3A_337 = arith.constant 0 : i32
        %ne3A_338 = arith.cmpi ne, %rem3A_336, %ne3A_337 : i32
        %and3A_339 = arith.andi %ne3A_335, %ne3A_338 : i1
        %sub3A_340 = arith.constant 1 : i32
        %sub3A_341 = arith.subi %div3A_320, %sub3A_340 : i32
        %select_n3A_342 = arith.select %and3A_339, %sub3A_341, %div3A_320 : i32
        %jit3A_343 = arith.constant 8 : i32
        %eq3A = arith.constant 0 : i32
        %eq3A_344 = arith.cmpi eq, %jit3A_343, %eq3A : i32
        %jit3A_345 = arith.constant 1 : i32
        %select_n3A_346 = arith.select %eq3A_344, %jit3A_345, %jit3A_343 : i32
        %rem3A_347 = arith.remsi %scan3A_318, %select_n3A_346 : i32
        %ne3A_348 = arith.constant 0 : i32
        %ne3A_349 = arith.cmpi ne, %rem3A_347, %ne3A_348 : i32
        %lt3A_350 = arith.constant 0 : i32
        %lt3A_351 = arith.cmpi slt, %rem3A_347, %lt3A_350 : i32
        %lt3A_352 = arith.constant 0 : i32
        %lt3A_353 = arith.cmpi slt, %select_n3A_346, %lt3A_352 : i32
        %ne3A_354 = arith.xori %lt3A_351, %lt3A_353 : i1
        %and3A_355 = arith.andi %ne3A_354, %ne3A_349 : i1
        %add3A_356 = arith.addi %rem3A_347, %select_n3A_346 : i32
        %select_n3A_357 = arith.select %and3A_355, %add3A_356, %rem3A_347 : i32
        %mul3A_358 = arith.constant 16 : i32
        %mul3A_359 = arith.muli %select_n3A_357, %mul3A_358 : i32
        %mul3A_360 = arith.constant 16 : i32
        %mul3A_361 = arith.muli %scan3A_318, %mul3A_360 : i32
        %get3A = arith.index_cast %select_n3A_342 : i32 to index
        %get3A_362 = arith.index_cast %mul3A_359 : i32 to index
        %get3A_363 = tpu.vector_load %arg10[%get3A, %get3A_362] {strides = array<i32>} : memref<4x128xi32, #tpu.memory_space<vmem>>, vector<1x16xi32>,
        %get3A_364 = vector.shape_cast %get3A_363 : vector<1x16xi32> to vector<16xi32>
        %add3A_365 = arith.addi %add3A_48, %mul3A_361 : i32
        %add3A_366 = vector.broadcast %add3A_365 : i32 to vector<16xi32>
        %add3A_367 = arith.addi %add3A_366, %iota3A : vector<16xi32>
        %lt3A_368 = arith.constant 850000 : i32
        %lt3A_369 = vector.broadcast %lt3A_368 : i32 to vector<16xi32>
        %lt3A_370 = arith.cmpi slt, %add3A_367, %lt3A_369 : vector<16xi32>
        %ge3A = vector.broadcast %mul3A_0 : i32 to vector<16xi32>
        %ge3A_371 = arith.cmpi sge, %get3A_364, %ge3A : vector<16xi32>
        %and3A_372 = arith.andi %lt3A_370, %ge3A_371 : vector<16xi1>
        %add3A_373 = arith.constant 25000 : i32
        %add3A_374 = arith.addi %mul3A_0, %add3A_373 : i32
        %lt3A_375 = vector.broadcast %add3A_374 : i32 to vector<16xi32>
        %lt3A_376 = arith.cmpi slt, %get3A_364, %lt3A_375 : vector<16xi32>
        %and3A_377 = arith.andi %and3A_372, %lt3A_376 : vector<16xi1>
        %sub3A_378 = vector.broadcast %mul3A_0 : i32 to vector<16xi32>
        %sub3A_379 = arith.subi %get3A_364, %sub3A_378 : vector<16xi32>
        %broadcast_in_dim3A = vector.broadcast %add3A_5 : i32 to vector<16xi32>
        %select_n3A_380 = arith.select %and3A_377, %sub3A_379, %broadcast_in_dim3A : vector<16xi1>, vector<16xi32>
        %add3A_381 = arith.constant 0 : i32
        %add3A_382 = arith.addi %mul3A_361, %add3A_381 : i32
        %get3A_383 = arith.index_cast %add3A_382 : i32 to index
        %get3A_384 = arith.constant 0 : index
        %get3A_385 = tpu.vector_load %arg11[%get3A_383, %get3A_384] {strides = array<i32>} : memref<512x16xf32, #tpu.memory_space<vmem>>, vector<1x16xf32>,
        %get3A_386 = vector.shape_cast %get3A_385 : vector<1x16xf32> to vector<16xf32>
        %get3A_387 = arith.index_cast %add3A_382 : i32 to index
        %get3A_388 = arith.constant 0 : index
        %get3A_389 = tpu.vector_load %arg12[%get3A_387, %get3A_388] {strides = array<i32>} : memref<512x16xf32, #tpu.memory_space<vmem>>, vector<1x16xf32>,
        %get3A_390 = vector.shape_cast %get3A_389 : vector<1x16xf32> to vector<16xf32>
        %add3A_391 = arith.addf %get3A_386, %get3A_390 : vector<16xf32>
        %ge3A_392 = arith.constant 0.000000e+00 : f32
        %ge3A_393 = vector.broadcast %ge3A_392 : f32 to vector<16xf32>
        %ge3A_394 = arith.cmpf oge, %add3A_391, %ge3A_393 : vector<16xf32>
        %mul3A_395 = arith.constant 2.000000e-01 : f32
        %mul3A_396 = vector.broadcast %mul3A_395 : f32 to vector<16xf32>
        %mul3A_397 = arith.mulf %add3A_391, %mul3A_396 : vector<16xf32>
        %select_n3A_398 = arith.select %ge3A_394, %add3A_391, %mul3A_397 : vector<16xi1>, vector<16xf32>
        %exp3A = math.exp %select_n3A_398 : vector<16xf32>
        %jit3A_399 = arith.constant 0.000000e+00 : f32
        %broadcast_in_dim3A_400 = vector.broadcast %jit3A_399 : f32 to vector<16xf32>
        %select_n3A_401 = arith.select %lt3A_2, %exp3A, %broadcast_in_dim3A_400 : vector<16xi1>, vector<16xf32>
        %swap3A = arith.index_cast %add3A_382 : i32 to index
        %swap3A_402 = arith.constant 16 : index
        %swap3A_403 = tpu.vector_load %arg13[%swap3A, %swap3A_402] {strides = array<i32>} : memref<512x32xf32, #tpu.memory_space<vmem>>, vector<1x16xf32>,
        %swap3A_404 = vector.shape_cast %swap3A_403 : vector<1x16xf32> to vector<16xf32>
        %swap3A_405 = vector.shape_cast %select_n3A_401 : vector<16xf32> to vector<1x16xf32>
        tpu.vector_store %arg13[%swap3A, %swap3A_402], %swap3A_405 {strides = array<i32>} : memref<512x32xf32, #tpu.memory_space<vmem>>, vector<1x16xf32>,
        %get3A_406 = arith.index_cast %add3A_382 : i32 to index
        %get3A_407 = arith.constant 0 : index
        %get3A_408 = tpu.vector_load %arg13[%get3A_406, %get3A_407] {strides = array<i32>} : memref<512x32xf32, #tpu.memory_space<vmem>>, vector<1x16xf32>,
        %get3A_409 = vector.shape_cast %get3A_408 : vector<1x16xf32> to vector<16xf32>
        %slice3A = vector.extract_strided_slice %exp3A {offsets = [0], sizes = [1], strides = [1]} : vector<16xf32> to vector<1xf32>
        %squeeze3A = vector.extract %slice3A[0] : f32 from vector<1xf32>
        %mul3A_410 = vector.broadcast %squeeze3A : f32 to vector<16xf32>
        %mul3A_411 = arith.mulf %get3A_409, %mul3A_410 : vector<16xf32>
        %swap3A_412 = arith.index_cast %add3A_382 : i32 to index
        %swap3A_413 = arith.constant 0 : index
        %swap3A_414 = tpu.vector_load %arg13[%swap3A_412, %swap3A_413] {strides = array<i32>} : memref<512x32xf32, #tpu.memory_space<vmem>>, vector<1x16xf32>,
        %swap3A_415 = vector.shape_cast %swap3A_414 : vector<1x16xf32> to vector<16xf32>
        %swap3A_416 = vector.shape_cast %mul3A_411 : vector<16xf32> to vector<1x16xf32>
        tpu.vector_store %arg13[%swap3A_412, %swap3A_413], %swap3A_416 {strides = array<i32>} : memref<512x32xf32, #tpu.memory_space<vmem>>, vector<1x16xf32>,
        %add3A_417 = arith.constant 1 : i32
        %add3A_418 = arith.addi %mul3A_361, %add3A_417 : i32
        %get3A_419 = arith.index_cast %add3A_418 : i32 to index
        %get3A_420 = arith.constant 0 : index
        %get3A_421 = tpu.vector_load %arg11[%get3A_419, %get3A_420] {strides = array<i32>} : memref<512x16xf32, #tpu.memory_space<vmem>>, vector<1x16xf32>,
        %get3A_422 = vector.shape_cast %get3A_421 : vector<1x16xf32> to vector<16xf32>
        %get3A_423 = arith.index_cast %add3A_418 : i32 to index
        %get3A_424 = arith.constant 0 : index
        %get3A_425 = tpu.vector_load %arg12[%get3A_423, %get3A_424] {strides = array<i32>} : memref<512x16xf32, #tpu.memory_space<vmem>>, vector<1x16xf32>,
        %get3A_426 = vector.shape_cast %get3A_425 : vector<1x16xf32> to vector<16xf32>
        %add3A_427 = arith.addf %get3A_422, %get3A_426 : vector<16xf32>
        %ge3A_428 = arith.constant 0.000000e+00 : f32
        %ge3A_429 = vector.broadcast %ge3A_428 : f32 to vector<16xf32>
        %ge3A_430 = arith.cmpf oge, %add3A_427, %ge3A_429 : vector<16xf32>
        %mul3A_431 = arith.constant 2.000000e-01 : f32
        %mul3A_432 = vector.broadcast %mul3A_431 : f32 to vector<16xf32>
        %mul3A_433 = arith.mulf %add3A_427, %mul3A_432 : vector<16xf32>
        %select_n3A_434 = arith.select %ge3A_430, %add3A_427, %mul3A_433 : vector<16xi1>, vector<16xf32>
        %exp3A_435 = math.exp %select_n3A_434 : vector<16xf32>
        %jit3A_436 = arith.constant 0.000000e+00 : f32
        %broadcast_in_dim3A_437 = vector.broadcast %jit3A_436 : f32 to vector<16xf32>
        %select_n3A_438 = arith.select %lt3A_2, %exp3A_435, %broadcast_in_dim3A_437 : vector<16xi1>, vector<16xf32>
        %swap3A_439 = arith.index_cast %add3A_418 : i32 to index
        %swap3A_440 = arith.constant 16 : index
        %swap3A_441 = tpu.vector_load %arg13[%swap3A_439, %swap3A_440] {strides = array<i32>} : memref<512x32xf32, #tpu.memory_space<vmem>>, vector<1x16xf32>,
        %swap3A_442 = vector.shape_cast %swap3A_441 : vector<1x16xf32> to vector<16xf32>
        %swap3A_443 = vector.shape_cast %select_n3A_438 : vector<16xf32> to vector<1x16xf32>
        tpu.vector_store %arg13[%swap3A_439, %swap3A_440], %swap3A_443 {strides = array<i32>} : memref<512x32xf32, #tpu.memory_space<vmem>>, vector<1x16xf32>,
        %get3A_444 = arith.index_cast %add3A_418 : i32 to index
        %get3A_445 = arith.constant 0 : index
        %get3A_446 = tpu.vector_load %arg13[%get3A_444, %get3A_445] {strides = array<i32>} : memref<512x32xf32, #tpu.memory_space<vmem>>, vector<1x16xf32>,
        %get3A_447 = vector.shape_cast %get3A_446 : vector<1x16xf32> to vector<16xf32>
        %slice3A_448 = vector.extract_strided_slice %exp3A_435 {offsets = [0], sizes = [1], strides = [1]} : vector<16xf32> to vector<1xf32>
        %squeeze3A_449 = vector.extract %slice3A_448[0] : f32 from vector<1xf32>
        %mul3A_450 = vector.broadcast %squeeze3A_449 : f32 to vector<16xf32>
        %mul3A_451 = arith.mulf %get3A_447, %mul3A_450 : vector<16xf32>
        %swap3A_452 = arith.index_cast %add3A_418 : i32 to index
        %swap3A_453 = arith.constant 0 : index
        %swap3A_454 = tpu.vector_load %arg13[%swap3A_452, %swap3A_453] {strides = array<i32>} : memref<512x32xf32, #tpu.memory_space<vmem>>, vector<1x16xf32>,
        %swap3A_455 = vector.shape_cast %swap3A_454 : vector<1x16xf32> to vector<16xf32>
        %swap3A_456 = vector.shape_cast %mul3A_451 : vector<16xf32> to vector<1x16xf32>
        tpu.vector_store %arg13[%swap3A_452, %swap3A_453], %swap3A_456 {strides = array<i32>} : memref<512x32xf32, #tpu.memory_space<vmem>>, vector<1x16xf32>,
        %add3A_457 = arith.constant 2 : i32
        %add3A_458 = arith.addi %mul3A_361, %add3A_457 : i32
        %get3A_459 = arith.index_cast %add3A_458 : i32 to index
        %get3A_460 = arith.constant 0 : index
        %get3A_461 = tpu.vector_load %arg11[%get3A_459, %get3A_460] {strides = array<i32>} : memref<512x16xf32, #tpu.memory_space<vmem>>, vector<1x16xf32>,
        %get3A_462 = vector.shape_cast %get3A_461 : vector<1x16xf32> to vector<16xf32>
        %get3A_463 = arith.index_cast %add3A_458 : i32 to index
        %get3A_464 = arith.constant 0 : index
        %get3A_465 = tpu.vector_load %arg12[%get3A_463, %get3A_464] {strides = array<i32>} : memref<512x16xf32, #tpu.memory_space<vmem>>, vector<1x16xf32>,
        %get3A_466 = vector.shape_cast %get3A_465 : vector<1x16xf32> to vector<16xf32>
        %add3A_467 = arith.addf %get3A_462, %get3A_466 : vector<16xf32>
        %ge3A_468 = arith.constant 0.000000e+00 : f32
        %ge3A_469 = vector.broadcast %ge3A_468 : f32 to vector<16xf32>
        %ge3A_470 = arith.cmpf oge, %add3A_467, %ge3A_469 : vector<16xf32>
        %mul3A_471 = arith.constant 2.000000e-01 : f32
        %mul3A_472 = vector.broadcast %mul3A_471 : f32 to vector<16xf32>
        %mul3A_473 = arith.mulf %add3A_467, %mul3A_472 : vector<16xf32>
        %select_n3A_474 = arith.select %ge3A_470, %add3A_467, %mul3A_473 : vector<16xi1>, vector<16xf32>
        %exp3A_475 = math.exp %select_n3A_474 : vector<16xf32>
        %jit3A_476 = arith.constant 0.000000e+00 : f32
        %broadcast_in_dim3A_477 = vector.broadcast %jit3A_476 : f32 to vector<16xf32>
        %select_n3A_478 = arith.select %lt3A_2, %exp3A_475, %broadcast_in_dim3A_477 : vector<16xi1>, vector<16xf32>
        %swap3A_479 = arith.index_cast %add3A_458 : i32 to index
        %swap3A_480 = arith.constant 16 : index
        %swap3A_481 = tpu.vector_load %arg13[%swap3A_479, %swap3A_480] {strides = array<i32>} : memref<512x32xf32, #tpu.memory_space<vmem>>, vector<1x16xf32>,
        %swap3A_482 = vector.shape_cast %swap3A_481 : vector<1x16xf32> to vector<16xf32>
        %swap3A_483 = vector.shape_cast %select_n3A_478 : vector<16xf32> to vector<1x16xf32>
        tpu.vector_store %arg13[%swap3A_479, %swap3A_480], %swap3A_483 {strides = array<i32>} : memref<512x32xf32, #tpu.memory_space<vmem>>, vector<1x16xf32>,
        %get3A_484 = arith.index_cast %add3A_458 : i32 to index
        %get3A_485 = arith.constant 0 : index
        %get3A_486 = tpu.vector_load %arg13[%get3A_484, %get3A_485] {strides = array<i32>} : memref<512x32xf32, #tpu.memory_space<vmem>>, vector<1x16xf32>,
        %get3A_487 = vector.shape_cast %get3A_486 : vector<1x16xf32> to vector<16xf32>
        %slice3A_488 = vector.extract_strided_slice %exp3A_475 {offsets = [0], sizes = [1], strides = [1]} : vector<16xf32> to vector<1xf32>
        %squeeze3A_489 = vector.extract %slice3A_488[0] : f32 from vector<1xf32>
        %mul3A_490 = vector.broadcast %squeeze3A_489 : f32 to vector<16xf32>
        %mul3A_491 = arith.mulf %get3A_487, %mul3A_490 : vector<16xf32>
        %swap3A_492 = arith.index_cast %add3A_458 : i32 to index
        %swap3A_493 = arith.constant 0 : index
        %swap3A_494 = tpu.vector_load %arg13[%swap3A_492, %swap3A_493] {strides = array<i32>} : memref<512x32xf32, #tpu.memory_space<vmem>>, vector<1x16xf32>,
        %swap3A_495 = vector.shape_cast %swap3A_494 : vector<1x16xf32> to vector<16xf32>
        %swap3A_496 = vector.shape_cast %mul3A_491 : vector<16xf32> to vector<1x16xf32>
        tpu.vector_store %arg13[%swap3A_492, %swap3A_493], %swap3A_496 {strides = array<i32>} : memref<512x32xf32, #tpu.memory_space<vmem>>, vector<1x16xf32>,
        %add3A_497 = arith.constant 3 : i32
        %add3A_498 = arith.addi %mul3A_361, %add3A_497 : i32
        %get3A_499 = arith.index_cast %add3A_498 : i32 to index
        %get3A_500 = arith.constant 0 : index
        %get3A_501 = tpu.vector_load %arg11[%get3A_499, %get3A_500] {strides = array<i32>} : memref<512x16xf32, #tpu.memory_space<vmem>>, vector<1x16xf32>,
        %get3A_502 = vector.shape_cast %get3A_501 : vector<1x16xf32> to vector<16xf32>
        %get3A_503 = arith.index_cast %add3A_498 : i32 to index
        %get3A_504 = arith.constant 0 : index
        %get3A_505 = tpu.vector_load %arg12[%get3A_503, %get3A_504] {strides = array<i32>} : memref<512x16xf32, #tpu.memory_space<vmem>>, vector<1x16xf32>,
        %get3A_506 = vector.shape_cast %get3A_505 : vector<1x16xf32> to vector<16xf32>
        %add3A_507 = arith.addf %get3A_502, %get3A_506 : vector<16xf32>
        %ge3A_508 = arith.constant 0.000000e+00 : f32
        %ge3A_509 = vector.broadcast %ge3A_508 : f32 to vector<16xf32>
        %ge3A_510 = arith.cmpf oge, %add3A_507, %ge3A_509 : vector<16xf32>
        %mul3A_511 = arith.constant 2.000000e-01 : f32
        %mul3A_512 = vector.broadcast %mul3A_511 : f32 to vector<16xf32>
        %mul3A_513 = arith.mulf %add3A_507, %mul3A_512 : vector<16xf32>
        %select_n3A_514 = arith.select %ge3A_510, %add3A_507, %mul3A_513 : vector<16xi1>, vector<16xf32>
        %exp3A_515 = math.exp %select_n3A_514 : vector<16xf32>
        %jit3A_516 = arith.constant 0.000000e+00 : f32
        %broadcast_in_dim3A_517 = vector.broadcast %jit3A_516 : f32 to vector<16xf32>
        %select_n3A_518 = arith.select %lt3A_2, %exp3A_515, %broadcast_in_dim3A_517 : vector<16xi1>, vector<16xf32>
        %swap3A_519 = arith.index_cast %add3A_498 : i32 to index
        %swap3A_520 = arith.constant 16 : index
        %swap3A_521 = tpu.vector_load %arg13[%swap3A_519, %swap3A_520] {strides = array<i32>} : memref<512x32xf32, #tpu.memory_space<vmem>>, vector<1x16xf32>,
        %swap3A_522 = vector.shape_cast %swap3A_521 : vector<1x16xf32> to vector<16xf32>
        %swap3A_523 = vector.shape_cast %select_n3A_518 : vector<16xf32> to vector<1x16xf32>
        tpu.vector_store %arg13[%swap3A_519, %swap3A_520], %swap3A_523 {strides = array<i32>} : memref<512x32xf32, #tpu.memory_space<vmem>>, vector<1x16xf32>,
        %get3A_524 = arith.index_cast %add3A_498 : i32 to index
        %get3A_525 = arith.constant 0 : index
        %get3A_526 = tpu.vector_load %arg13[%get3A_524, %get3A_525] {strides = array<i32>} : memref<512x32xf32, #tpu.memory_space<vmem>>, vector<1x16xf32>,
        %get3A_527 = vector.shape_cast %get3A_526 : vector<1x16xf32> to vector<16xf32>
        %slice3A_528 = vector.extract_strided_slice %exp3A_515 {offsets = [0], sizes = [1], strides = [1]} : vector<16xf32> to vector<1xf32>
        %squeeze3A_529 = vector.extract %slice3A_528[0] : f32 from vector<1xf32>
        %mul3A_530 = vector.broadcast %squeeze3A_529 : f32 to vector<16xf32>
        %mul3A_531 = arith.mulf %get3A_527, %mul3A_530 : vector<16xf32>
        %swap3A_532 = arith.index_cast %add3A_498 : i32 to index
        %swap3A_533 = arith.constant 0 : index
        %swap3A_534 = tpu.vector_load %arg13[%swap3A_532, %swap3A_533] {strides = array<i32>} : memref<512x32xf32, #tpu.memory_space<vmem>>, vector<1x16xf32>,
        %swap3A_535 = vector.shape_cast %swap3A_534 : vector<1x16xf32> to vector<16xf32>
        %swap3A_536 = vector.shape_cast %mul3A_531 : vector<16xf32> to vector<1x16xf32>
        tpu.vector_store %arg13[%swap3A_532, %swap3A_533], %swap3A_536 {strides = array<i32>} : memref<512x32xf32, #tpu.memory_space<vmem>>, vector<1x16xf32>,
        %add3A_537 = arith.constant 4 : i32
        %add3A_538 = arith.addi %mul3A_361, %add3A_537 : i32
        %get3A_539 = arith.index_cast %add3A_538 : i32 to index
        %get3A_540 = arith.constant 0 : index
        %get3A_541 = tpu.vector_load %arg11[%get3A_539, %get3A_540] {strides = array<i32>} : memref<512x16xf32, #tpu.memory_space<vmem>>, vector<1x16xf32>,
        %get3A_542 = vector.shape_cast %get3A_541 : vector<1x16xf32> to vector<16xf32>
        %get3A_543 = arith.index_cast %add3A_538 : i32 to index
        %get3A_544 = arith.constant 0 : index
        %get3A_545 = tpu.vector_load %arg12[%get3A_543, %get3A_544] {strides = array<i32>} : memref<512x16xf32, #tpu.memory_space<vmem>>, vector<1x16xf32>,
        %get3A_546 = vector.shape_cast %get3A_545 : vector<1x16xf32> to vector<16xf32>
        %add3A_547 = arith.addf %get3A_542, %get3A_546 : vector<16xf32>
        %ge3A_548 = arith.constant 0.000000e+00 : f32
        %ge3A_549 = vector.broadcast %ge3A_548 : f32 to vector<16xf32>
        %ge3A_550 = arith.cmpf oge, %add3A_547, %ge3A_549 : vector<16xf32>
        %mul3A_551 = arith.constant 2.000000e-01 : f32
        %mul3A_552 = vector.broadcast %mul3A_551 : f32 to vector<16xf32>
        %mul3A_553 = arith.mulf %add3A_547, %mul3A_552 : vector<16xf32>
        %select_n3A_554 = arith.select %ge3A_550, %add3A_547, %mul3A_553 : vector<16xi1>, vector<16xf32>
        %exp3A_555 = math.exp %select_n3A_554 : vector<16xf32>
        %jit3A_556 = arith.constant 0.000000e+00 : f32
        %broadcast_in_dim3A_557 = vector.broadcast %jit3A_556 : f32 to vector<16xf32>
        %select_n3A_558 = arith.select %lt3A_2, %exp3A_555, %broadcast_in_dim3A_557 : vector<16xi1>, vector<16xf32>
        %swap3A_559 = arith.index_cast %add3A_538 : i32 to index
        %swap3A_560 = arith.constant 16 : index
        %swap3A_561 = tpu.vector_load %arg13[%swap3A_559, %swap3A_560] {strides = array<i32>} : memref<512x32xf32, #tpu.memory_space<vmem>>, vector<1x16xf32>,
        %swap3A_562 = vector.shape_cast %swap3A_561 : vector<1x16xf32> to vector<16xf32>
        %swap3A_563 = vector.shape_cast %select_n3A_558 : vector<16xf32> to vector<1x16xf32>
        tpu.vector_store %arg13[%swap3A_559, %swap3A_560], %swap3A_563 {strides = array<i32>} : memref<512x32xf32, #tpu.memory_space<vmem>>, vector<1x16xf32>,
        %get3A_564 = arith.index_cast %add3A_538 : i32 to index
        %get3A_565 = arith.constant 0 : index
        %get3A_566 = tpu.vector_load %arg13[%get3A_564, %get3A_565] {strides = array<i32>} : memref<512x32xf32, #tpu.memory_space<vmem>>, vector<1x16xf32>,
        %get3A_567 = vector.shape_cast %get3A_566 : vector<1x16xf32> to vector<16xf32>
        %slice3A_568 = vector.extract_strided_slice %exp3A_555 {offsets = [0], sizes = [1], strides = [1]} : vector<16xf32> to vector<1xf32>
        %squeeze3A_569 = vector.extract %slice3A_568[0] : f32 from vector<1xf32>
        %mul3A_570 = vector.broadcast %squeeze3A_569 : f32 to vector<16xf32>
        %mul3A_571 = arith.mulf %get3A_567, %mul3A_570 : vector<16xf32>
        %swap3A_572 = arith.index_cast %add3A_538 : i32 to index
        %swap3A_573 = arith.constant 0 : index
        %swap3A_574 = tpu.vector_load %arg13[%swap3A_572, %swap3A_573] {strides = array<i32>} : memref<512x32xf32, #tpu.memory_space<vmem>>, vector<1x16xf32>,
        %swap3A_575 = vector.shape_cast %swap3A_574 : vector<1x16xf32> to vector<16xf32>
        %swap3A_576 = vector.shape_cast %mul3A_571 : vector<16xf32> to vector<1x16xf32>
        tpu.vector_store %arg13[%swap3A_572, %swap3A_573], %swap3A_576 {strides = array<i32>} : memref<512x32xf32, #tpu.memory_space<vmem>>, vector<1x16xf32>,
        %add3A_577 = arith.constant 5 : i32
        %add3A_578 = arith.addi %mul3A_361, %add3A_577 : i32
        %get3A_579 = arith.index_cast %add3A_578 : i32 to index
        %get3A_580 = arith.constant 0 : index
        %get3A_581 = tpu.vector_load %arg11[%get3A_579, %get3A_580] {strides = array<i32>} : memref<512x16xf32, #tpu.memory_space<vmem>>, vector<1x16xf32>,
        %get3A_582 = vector.shape_cast %get3A_581 : vector<1x16xf32> to vector<16xf32>
        %get3A_583 = arith.index_cast %add3A_578 : i32 to index
        %get3A_584 = arith.constant 0 : index
        %get3A_585 = tpu.vector_load %arg12[%get3A_583, %get3A_584] {strides = array<i32>} : memref<512x16xf32, #tpu.memory_space<vmem>>, vector<1x16xf32>,
        %get3A_586 = vector.shape_cast %get3A_585 : vector<1x16xf32> to vector<16xf32>
        %add3A_587 = arith.addf %get3A_582, %get3A_586 : vector<16xf32>
        %ge3A_588 = arith.constant 0.000000e+00 : f32
        %ge3A_589 = vector.broadcast %ge3A_588 : f32 to vector<16xf32>
        %ge3A_590 = arith.cmpf oge, %add3A_587, %ge3A_589 : vector<16xf32>
        %mul3A_591 = arith.constant 2.000000e-01 : f32
        %mul3A_592 = vector.broadcast %mul3A_591 : f32 to vector<16xf32>
        %mul3A_593 = arith.mulf %add3A_587, %mul3A_592 : vector<16xf32>
        %select_n3A_594 = arith.select %ge3A_590, %add3A_587, %mul3A_593 : vector<16xi1>, vector<16xf32>
        %exp3A_595 = math.exp %select_n3A_594 : vector<16xf32>
        %jit3A_596 = arith.constant 0.000000e+00 : f32
        %broadcast_in_dim3A_597 = vector.broadcast %jit3A_596 : f32 to vector<16xf32>
        %select_n3A_598 = arith.select %lt3A_2, %exp3A_595, %broadcast_in_dim3A_597 : vector<16xi1>, vector<16xf32>
        %swap3A_599 = arith.index_cast %add3A_578 : i32 to index
        %swap3A_600 = arith.constant 16 : index
        %swap3A_601 = tpu.vector_load %arg13[%swap3A_599, %swap3A_600] {strides = array<i32>} : memref<512x32xf32, #tpu.memory_space<vmem>>, vector<1x16xf32>,
        %swap3A_602 = vector.shape_cast %swap3A_601 : vector<1x16xf32> to vector<16xf32>
        %swap3A_603 = vector.shape_cast %select_n3A_598 : vector<16xf32> to vector<1x16xf32>
        tpu.vector_store %arg13[%swap3A_599, %swap3A_600], %swap3A_603 {strides = array<i32>} : memref<512x32xf32, #tpu.memory_space<vmem>>, vector<1x16xf32>,
        %get3A_604 = arith.index_cast %add3A_578 : i32 to index
        %get3A_605 = arith.constant 0 : index
        %get3A_606 = tpu.vector_load %arg13[%get3A_604, %get3A_605] {strides = array<i32>} : memref<512x32xf32, #tpu.memory_space<vmem>>, vector<1x16xf32>,
        %get3A_607 = vector.shape_cast %get3A_606 : vector<1x16xf32> to vector<16xf32>
        %slice3A_608 = vector.extract_strided_slice %exp3A_595 {offsets = [0], sizes = [1], strides = [1]} : vector<16xf32> to vector<1xf32>
        %squeeze3A_609 = vector.extract %slice3A_608[0] : f32 from vector<1xf32>
        %mul3A_610 = vector.broadcast %squeeze3A_609 : f32 to vector<16xf32>
        %mul3A_611 = arith.mulf %get3A_607, %mul3A_610 : vector<16xf32>
        %swap3A_612 = arith.index_cast %add3A_578 : i32 to index
        %swap3A_613 = arith.constant 0 : index
        %swap3A_614 = tpu.vector_load %arg13[%swap3A_612, %swap3A_613] {strides = array<i32>} : memref<512x32xf32, #tpu.memory_space<vmem>>, vector<1x16xf32>,
        %swap3A_615 = vector.shape_cast %swap3A_614 : vector<1x16xf32> to vector<16xf32>
        %swap3A_616 = vector.shape_cast %mul3A_611 : vector<16xf32> to vector<1x16xf32>
        tpu.vector_store %arg13[%swap3A_612, %swap3A_613], %swap3A_616 {strides = array<i32>} : memref<512x32xf32, #tpu.memory_space<vmem>>, vector<1x16xf32>,
        %add3A_617 = arith.constant 6 : i32
        %add3A_618 = arith.addi %mul3A_361, %add3A_617 : i32
        %get3A_619 = arith.index_cast %add3A_618 : i32 to index
        %get3A_620 = arith.constant 0 : index
        %get3A_621 = tpu.vector_load %arg11[%get3A_619, %get3A_620] {strides = array<i32>} : memref<512x16xf32, #tpu.memory_space<vmem>>, vector<1x16xf32>,
        %get3A_622 = vector.shape_cast %get3A_621 : vector<1x16xf32> to vector<16xf32>
        %get3A_623 = arith.index_cast %add3A_618 : i32 to index
        %get3A_624 = arith.constant 0 : index
        %get3A_625 = tpu.vector_load %arg12[%get3A_623, %get3A_624] {strides = array<i32>} : memref<512x16xf32, #tpu.memory_space<vmem>>, vector<1x16xf32>,
        %get3A_626 = vector.shape_cast %get3A_625 : vector<1x16xf32> to vector<16xf32>
        %add3A_627 = arith.addf %get3A_622, %get3A_626 : vector<16xf32>
        %ge3A_628 = arith.constant 0.000000e+00 : f32
        %ge3A_629 = vector.broadcast %ge3A_628 : f32 to vector<16xf32>
        %ge3A_630 = arith.cmpf oge, %add3A_627, %ge3A_629 : vector<16xf32>
        %mul3A_631 = arith.constant 2.000000e-01 : f32
        %mul3A_632 = vector.broadcast %mul3A_631 : f32 to vector<16xf32>
        %mul3A_633 = arith.mulf %add3A_627, %mul3A_632 : vector<16xf32>
        %select_n3A_634 = arith.select %ge3A_630, %add3A_627, %mul3A_633 : vector<16xi1>, vector<16xf32>
        %exp3A_635 = math.exp %select_n3A_634 : vector<16xf32>
        %jit3A_636 = arith.constant 0.000000e+00 : f32
        %broadcast_in_dim3A_637 = vector.broadcast %jit3A_636 : f32 to vector<16xf32>
        %select_n3A_638 = arith.select %lt3A_2, %exp3A_635, %broadcast_in_dim3A_637 : vector<16xi1>, vector<16xf32>
        %swap3A_639 = arith.index_cast %add3A_618 : i32 to index
        %swap3A_640 = arith.constant 16 : index
        %swap3A_641 = tpu.vector_load %arg13[%swap3A_639, %swap3A_640] {strides = array<i32>} : memref<512x32xf32, #tpu.memory_space<vmem>>, vector<1x16xf32>,
        %swap3A_642 = vector.shape_cast %swap3A_641 : vector<1x16xf32> to vector<16xf32>
        %swap3A_643 = vector.shape_cast %select_n3A_638 : vector<16xf32> to vector<1x16xf32>
        tpu.vector_store %arg13[%swap3A_639, %swap3A_640], %swap3A_643 {strides = array<i32>} : memref<512x32xf32, #tpu.memory_space<vmem>>, vector<1x16xf32>,
        %get3A_644 = arith.index_cast %add3A_618 : i32 to index
        %get3A_645 = arith.constant 0 : index
        %get3A_646 = tpu.vector_load %arg13[%get3A_644, %get3A_645] {strides = array<i32>} : memref<512x32xf32, #tpu.memory_space<vmem>>, vector<1x16xf32>,
        %get3A_647 = vector.shape_cast %get3A_646 : vector<1x16xf32> to vector<16xf32>
        %slice3A_648 = vector.extract_strided_slice %exp3A_635 {offsets = [0], sizes = [1], strides = [1]} : vector<16xf32> to vector<1xf32>
        %squeeze3A_649 = vector.extract %slice3A_648[0] : f32 from vector<1xf32>
        %mul3A_650 = vector.broadcast %squeeze3A_649 : f32 to vector<16xf32>
        %mul3A_651 = arith.mulf %get3A_647, %mul3A_650 : vector<16xf32>
        %swap3A_652 = arith.index_cast %add3A_618 : i32 to index
        %swap3A_653 = arith.constant 0 : index
        %swap3A_654 = tpu.vector_load %arg13[%swap3A_652, %swap3A_653] {strides = array<i32>} : memref<512x32xf32, #tpu.memory_space<vmem>>, vector<1x16xf32>,
        %swap3A_655 = vector.shape_cast %swap3A_654 : vector<1x16xf32> to vector<16xf32>
        %swap3A_656 = vector.shape_cast %mul3A_651 : vector<16xf32> to vector<1x16xf32>
        tpu.vector_store %arg13[%swap3A_652, %swap3A_653], %swap3A_656 {strides = array<i32>} : memref<512x32xf32, #tpu.memory_space<vmem>>, vector<1x16xf32>,
        %add3A_657 = arith.constant 7 : i32
        %add3A_658 = arith.addi %mul3A_361, %add3A_657 : i32
        %get3A_659 = arith.index_cast %add3A_658 : i32 to index
        %get3A_660 = arith.constant 0 : index
        %get3A_661 = tpu.vector_load %arg11[%get3A_659, %get3A_660] {strides = array<i32>} : memref<512x16xf32, #tpu.memory_space<vmem>>, vector<1x16xf32>,
        %get3A_662 = vector.shape_cast %get3A_661 : vector<1x16xf32> to vector<16xf32>
        %get3A_663 = arith.index_cast %add3A_658 : i32 to index
        %get3A_664 = arith.constant 0 : index
        %get3A_665 = tpu.vector_load %arg12[%get3A_663, %get3A_664] {strides = array<i32>} : memref<512x16xf32, #tpu.memory_space<vmem>>, vector<1x16xf32>,
        %get3A_666 = vector.shape_cast %get3A_665 : vector<1x16xf32> to vector<16xf32>
        %add3A_667 = arith.addf %get3A_662, %get3A_666 : vector<16xf32>
        %ge3A_668 = arith.constant 0.000000e+00 : f32
        %ge3A_669 = vector.broadcast %ge3A_668 : f32 to vector<16xf32>
        %ge3A_670 = arith.cmpf oge, %add3A_667, %ge3A_669 : vector<16xf32>
        %mul3A_671 = arith.constant 2.000000e-01 : f32
        %mul3A_672 = vector.broadcast %mul3A_671 : f32 to vector<16xf32>
        %mul3A_673 = arith.mulf %add3A_667, %mul3A_672 : vector<16xf32>
        %select_n3A_674 = arith.select %ge3A_670, %add3A_667, %mul3A_673 : vector<16xi1>, vector<16xf32>
        %exp3A_675 = math.exp %select_n3A_674 : vector<16xf32>
        %jit3A_676 = arith.constant 0.000000e+00 : f32
        %broadcast_in_dim3A_677 = vector.broadcast %jit3A_676 : f32 to vector<16xf32>
        %select_n3A_678 = arith.select %lt3A_2, %exp3A_675, %broadcast_in_dim3A_677 : vector<16xi1>, vector<16xf32>
        %swap3A_679 = arith.index_cast %add3A_658 : i32 to index
        %swap3A_680 = arith.constant 16 : index
        %swap3A_681 = tpu.vector_load %arg13[%swap3A_679, %swap3A_680] {strides = array<i32>} : memref<512x32xf32, #tpu.memory_space<vmem>>, vector<1x16xf32>,
        %swap3A_682 = vector.shape_cast %swap3A_681 : vector<1x16xf32> to vector<16xf32>
        %swap3A_683 = vector.shape_cast %select_n3A_678 : vector<16xf32> to vector<1x16xf32>
        tpu.vector_store %arg13[%swap3A_679, %swap3A_680], %swap3A_683 {strides = array<i32>} : memref<512x32xf32, #tpu.memory_space<vmem>>, vector<1x16xf32>,
        %get3A_684 = arith.index_cast %add3A_658 : i32 to index
        %get3A_685 = arith.constant 0 : index
        %get3A_686 = tpu.vector_load %arg13[%get3A_684, %get3A_685] {strides = array<i32>} : memref<512x32xf32, #tpu.memory_space<vmem>>, vector<1x16xf32>,
        %get3A_687 = vector.shape_cast %get3A_686 : vector<1x16xf32> to vector<16xf32>
        %slice3A_688 = vector.extract_strided_slice %exp3A_675 {offsets = [0], sizes = [1], strides = [1]} : vector<16xf32> to vector<1xf32>
        %squeeze3A_689 = vector.extract %slice3A_688[0] : f32 from vector<1xf32>
        %mul3A_690 = vector.broadcast %squeeze3A_689 : f32 to vector<16xf32>
        %mul3A_691 = arith.mulf %get3A_687, %mul3A_690 : vector<16xf32>
        %swap3A_692 = arith.index_cast %add3A_658 : i32 to index
        %swap3A_693 = arith.constant 0 : index
        %swap3A_694 = tpu.vector_load %arg13[%swap3A_692, %swap3A_693] {strides = array<i32>} : memref<512x32xf32, #tpu.memory_space<vmem>>, vector<1x16xf32>,
        %swap3A_695 = vector.shape_cast %swap3A_694 : vector<1x16xf32> to vector<16xf32>
        %swap3A_696 = vector.shape_cast %mul3A_691 : vector<16xf32> to vector<1x16xf32>
        tpu.vector_store %arg13[%swap3A_692, %swap3A_693], %swap3A_696 {strides = array<i32>} : memref<512x32xf32, #tpu.memory_space<vmem>>, vector<1x16xf32>,
        %add3A_697 = arith.constant 8 : i32
        %add3A_698 = arith.addi %mul3A_361, %add3A_697 : i32
        %get3A_699 = arith.index_cast %add3A_698 : i32 to index
        %get3A_700 = arith.constant 0 : index
        %get3A_701 = tpu.vector_load %arg11[%get3A_699, %get3A_700] {strides = array<i32>} : memref<512x16xf32, #tpu.memory_space<vmem>>, vector<1x16xf32>,
        %get3A_702 = vector.shape_cast %get3A_701 : vector<1x16xf32> to vector<16xf32>
        %get3A_703 = arith.index_cast %add3A_698 : i32 to index
        %get3A_704 = arith.constant 0 : index
        %get3A_705 = tpu.vector_load %arg12[%get3A_703, %get3A_704] {strides = array<i32>} : memref<512x16xf32, #tpu.memory_space<vmem>>, vector<1x16xf32>,
        %get3A_706 = vector.shape_cast %get3A_705 : vector<1x16xf32> to vector<16xf32>
        %add3A_707 = arith.addf %get3A_702, %get3A_706 : vector<16xf32>
        %ge3A_708 = arith.constant 0.000000e+00 : f32
        %ge3A_709 = vector.broadcast %ge3A_708 : f32 to vector<16xf32>
        %ge3A_710 = arith.cmpf oge, %add3A_707, %ge3A_709 : vector<16xf32>
        %mul3A_711 = arith.constant 2.000000e-01 : f32
        %mul3A_712 = vector.broadcast %mul3A_711 : f32 to vector<16xf32>
        %mul3A_713 = arith.mulf %add3A_707, %mul3A_712 : vector<16xf32>
        %select_n3A_714 = arith.select %ge3A_710, %add3A_707, %mul3A_713 : vector<16xi1>, vector<16xf32>
        %exp3A_715 = math.exp %select_n3A_714 : vector<16xf32>
        %jit3A_716 = arith.constant 0.000000e+00 : f32
        %broadcast_in_dim3A_717 = vector.broadcast %jit3A_716 : f32 to vector<16xf32>
        %select_n3A_718 = arith.select %lt3A_2, %exp3A_715, %broadcast_in_dim3A_717 : vector<16xi1>, vector<16xf32>
        %swap3A_719 = arith.index_cast %add3A_698 : i32 to index
        %swap3A_720 = arith.constant 16 : index
        %swap3A_721 = tpu.vector_load %arg13[%swap3A_719, %swap3A_720] {strides = array<i32>} : memref<512x32xf32, #tpu.memory_space<vmem>>, vector<1x16xf32>,
        %swap3A_722 = vector.shape_cast %swap3A_721 : vector<1x16xf32> to vector<16xf32>
        %swap3A_723 = vector.shape_cast %select_n3A_718 : vector<16xf32> to vector<1x16xf32>
        tpu.vector_store %arg13[%swap3A_719, %swap3A_720], %swap3A_723 {strides = array<i32>} : memref<512x32xf32, #tpu.memory_space<vmem>>, vector<1x16xf32>,
        %get3A_724 = arith.index_cast %add3A_698 : i32 to index
        %get3A_725 = arith.constant 0 : index
        %get3A_726 = tpu.vector_load %arg13[%get3A_724, %get3A_725] {strides = array<i32>} : memref<512x32xf32, #tpu.memory_space<vmem>>, vector<1x16xf32>,
        %get3A_727 = vector.shape_cast %get3A_726 : vector<1x16xf32> to vector<16xf32>
        %slice3A_728 = vector.extract_strided_slice %exp3A_715 {offsets = [0], sizes = [1], strides = [1]} : vector<16xf32> to vector<1xf32>
        %squeeze3A_729 = vector.extract %slice3A_728[0] : f32 from vector<1xf32>
        %mul3A_730 = vector.broadcast %squeeze3A_729 : f32 to vector<16xf32>
        %mul3A_731 = arith.mulf %get3A_727, %mul3A_730 : vector<16xf32>
        %swap3A_732 = arith.index_cast %add3A_698 : i32 to index
        %swap3A_733 = arith.constant 0 : index
        %swap3A_734 = tpu.vector_load %arg13[%swap3A_732, %swap3A_733] {strides = array<i32>} : memref<512x32xf32, #tpu.memory_space<vmem>>, vector<1x16xf32>,
        %swap3A_735 = vector.shape_cast %swap3A_734 : vector<1x16xf32> to vector<16xf32>
        %swap3A_736 = vector.shape_cast %mul3A_731 : vector<16xf32> to vector<1x16xf32>
        tpu.vector_store %arg13[%swap3A_732, %swap3A_733], %swap3A_736 {strides = array<i32>} : memref<512x32xf32, #tpu.memory_space<vmem>>, vector<1x16xf32>,
        %add3A_737 = arith.constant 9 : i32
        %add3A_738 = arith.addi %mul3A_361, %add3A_737 : i32
        %get3A_739 = arith.index_cast %add3A_738 : i32 to index
        %get3A_740 = arith.constant 0 : index
        %get3A_741 = tpu.vector_load %arg11[%get3A_739, %get3A_740] {strides = array<i32>} : memref<512x16xf32, #tpu.memory_space<vmem>>, vector<1x16xf32>,
        %get3A_742 = vector.shape_cast %get3A_741 : vector<1x16xf32> to vector<16xf32>
        %get3A_743 = arith.index_cast %add3A_738 : i32 to index
        %get3A_744 = arith.constant 0 : index
        %get3A_745 = tpu.vector_load %arg12[%get3A_743, %get3A_744] {strides = array<i32>} : memref<512x16xf32, #tpu.memory_space<vmem>>, vector<1x16xf32>,
        %get3A_746 = vector.shape_cast %get3A_745 : vector<1x16xf32> to vector<16xf32>
        %add3A_747 = arith.addf %get3A_742, %get3A_746 : vector<16xf32>
        %ge3A_748 = arith.constant 0.000000e+00 : f32
        %ge3A_749 = vector.broadcast %ge3A_748 : f32 to vector<16xf32>
        %ge3A_750 = arith.cmpf oge, %add3A_747, %ge3A_749 : vector<16xf32>
        %mul3A_751 = arith.constant 2.000000e-01 : f32
        %mul3A_752 = vector.broadcast %mul3A_751 : f32 to vector<16xf32>
        %mul3A_753 = arith.mulf %add3A_747, %mul3A_752 : vector<16xf32>
        %select_n3A_754 = arith.select %ge3A_750, %add3A_747, %mul3A_753 : vector<16xi1>, vector<16xf32>
        %exp3A_755 = math.exp %select_n3A_754 : vector<16xf32>
        %jit3A_756 = arith.constant 0.000000e+00 : f32
        %broadcast_in_dim3A_757 = vector.broadcast %jit3A_756 : f32 to vector<16xf32>
        %select_n3A_758 = arith.select %lt3A_2, %exp3A_755, %broadcast_in_dim3A_757 : vector<16xi1>, vector<16xf32>
        %swap3A_759 = arith.index_cast %add3A_738 : i32 to index
        %swap3A_760 = arith.constant 16 : index
        %swap3A_761 = tpu.vector_load %arg13[%swap3A_759, %swap3A_760] {strides = array<i32>} : memref<512x32xf32, #tpu.memory_space<vmem>>, vector<1x16xf32>,
        %swap3A_762 = vector.shape_cast %swap3A_761 : vector<1x16xf32> to vector<16xf32>
        %swap3A_763 = vector.shape_cast %select_n3A_758 : vector<16xf32> to vector<1x16xf32>
        tpu.vector_store %arg13[%swap3A_759, %swap3A_760], %swap3A_763 {strides = array<i32>} : memref<512x32xf32, #tpu.memory_space<vmem>>, vector<1x16xf32>,
        %get3A_764 = arith.index_cast %add3A_738 : i32 to index
        %get3A_765 = arith.constant 0 : index
        %get3A_766 = tpu.vector_load %arg13[%get3A_764, %get3A_765] {strides = array<i32>} : memref<512x32xf32, #tpu.memory_space<vmem>>, vector<1x16xf32>,
        %get3A_767 = vector.shape_cast %get3A_766 : vector<1x16xf32> to vector<16xf32>
        %slice3A_768 = vector.extract_strided_slice %exp3A_755 {offsets = [0], sizes = [1], strides = [1]} : vector<16xf32> to vector<1xf32>
        %squeeze3A_769 = vector.extract %slice3A_768[0] : f32 from vector<1xf32>
        %mul3A_770 = vector.broadcast %squeeze3A_769 : f32 to vector<16xf32>
        %mul3A_771 = arith.mulf %get3A_767, %mul3A_770 : vector<16xf32>
        %swap3A_772 = arith.index_cast %add3A_738 : i32 to index
        %swap3A_773 = arith.constant 0 : index
        %swap3A_774 = tpu.vector_load %arg13[%swap3A_772, %swap3A_773] {strides = array<i32>} : memref<512x32xf32, #tpu.memory_space<vmem>>, vector<1x16xf32>,
        %swap3A_775 = vector.shape_cast %swap3A_774 : vector<1x16xf32> to vector<16xf32>
        %swap3A_776 = vector.shape_cast %mul3A_771 : vector<16xf32> to vector<1x16xf32>
        tpu.vector_store %arg13[%swap3A_772, %swap3A_773], %swap3A_776 {strides = array<i32>} : memref<512x32xf32, #tpu.memory_space<vmem>>, vector<1x16xf32>,
        %add3A_777 = arith.constant 10 : i32
        %add3A_778 = arith.addi %mul3A_361, %add3A_777 : i32
        %get3A_779 = arith.index_cast %add3A_778 : i32 to index
        %get3A_780 = arith.constant 0 : index
        %get3A_781 = tpu.vector_load %arg11[%get3A_779, %get3A_780] {strides = array<i32>} : memref<512x16xf32, #tpu.memory_space<vmem>>, vector<1x16xf32>,
        %get3A_782 = vector.shape_cast %get3A_781 : vector<1x16xf32> to vector<16xf32>
        %get3A_783 = arith.index_cast %add3A_778 : i32 to index
        %get3A_784 = arith.constant 0 : index
        %get3A_785 = tpu.vector_load %arg12[%get3A_783, %get3A_784] {strides = array<i32>} : memref<512x16xf32, #tpu.memory_space<vmem>>, vector<1x16xf32>,
        %get3A_786 = vector.shape_cast %get3A_785 : vector<1x16xf32> to vector<16xf32>
        %add3A_787 = arith.addf %get3A_782, %get3A_786 : vector<16xf32>
        %ge3A_788 = arith.constant 0.000000e+00 : f32
        %ge3A_789 = vector.broadcast %ge3A_788 : f32 to vector<16xf32>
        %ge3A_790 = arith.cmpf oge, %add3A_787, %ge3A_789 : vector<16xf32>
        %mul3A_791 = arith.constant 2.000000e-01 : f32
        %mul3A_792 = vector.broadcast %mul3A_791 : f32 to vector<16xf32>
        %mul3A_793 = arith.mulf %add3A_787, %mul3A_792 : vector<16xf32>
        %select_n3A_794 = arith.select %ge3A_790, %add3A_787, %mul3A_793 : vector<16xi1>, vector<16xf32>
        %exp3A_795 = math.exp %select_n3A_794 : vector<16xf32>
        %jit3A_796 = arith.constant 0.000000e+00 : f32
        %broadcast_in_dim3A_797 = vector.broadcast %jit3A_796 : f32 to vector<16xf32>
        %select_n3A_798 = arith.select %lt3A_2, %exp3A_795, %broadcast_in_dim3A_797 : vector<16xi1>, vector<16xf32>
        %swap3A_799 = arith.index_cast %add3A_778 : i32 to index
        %swap3A_800 = arith.constant 16 : index
        %swap3A_801 = tpu.vector_load %arg13[%swap3A_799, %swap3A_800] {strides = array<i32>} : memref<512x32xf32, #tpu.memory_space<vmem>>, vector<1x16xf32>,
        %swap3A_802 = vector.shape_cast %swap3A_801 : vector<1x16xf32> to vector<16xf32>
        %swap3A_803 = vector.shape_cast %select_n3A_798 : vector<16xf32> to vector<1x16xf32>
        tpu.vector_store %arg13[%swap3A_799, %swap3A_800], %swap3A_803 {strides = array<i32>} : memref<512x32xf32, #tpu.memory_space<vmem>>, vector<1x16xf32>,
        %get3A_804 = arith.index_cast %add3A_778 : i32 to index
        %get3A_805 = arith.constant 0 : index
        %get3A_806 = tpu.vector_load %arg13[%get3A_804, %get3A_805] {strides = array<i32>} : memref<512x32xf32, #tpu.memory_space<vmem>>, vector<1x16xf32>,
        %get3A_807 = vector.shape_cast %get3A_806 : vector<1x16xf32> to vector<16xf32>
        %slice3A_808 = vector.extract_strided_slice %exp3A_795 {offsets = [0], sizes = [1], strides = [1]} : vector<16xf32> to vector<1xf32>
        %squeeze3A_809 = vector.extract %slice3A_808[0] : f32 from vector<1xf32>
        %mul3A_810 = vector.broadcast %squeeze3A_809 : f32 to vector<16xf32>
        %mul3A_811 = arith.mulf %get3A_807, %mul3A_810 : vector<16xf32>
        %swap3A_812 = arith.index_cast %add3A_778 : i32 to index
        %swap3A_813 = arith.constant 0 : index
        %swap3A_814 = tpu.vector_load %arg13[%swap3A_812, %swap3A_813] {strides = array<i32>} : memref<512x32xf32, #tpu.memory_space<vmem>>, vector<1x16xf32>,
        %swap3A_815 = vector.shape_cast %swap3A_814 : vector<1x16xf32> to vector<16xf32>
        %swap3A_816 = vector.shape_cast %mul3A_811 : vector<16xf32> to vector<1x16xf32>
        tpu.vector_store %arg13[%swap3A_812, %swap3A_813], %swap3A_816 {strides = array<i32>} : memref<512x32xf32, #tpu.memory_space<vmem>>, vector<1x16xf32>,
        %add3A_817 = arith.constant 11 : i32
        %add3A_818 = arith.addi %mul3A_361, %add3A_817 : i32
        %get3A_819 = arith.index_cast %add3A_818 : i32 to index
        %get3A_820 = arith.constant 0 : index
        %get3A_821 = tpu.vector_load %arg11[%get3A_819, %get3A_820] {strides = array<i32>} : memref<512x16xf32, #tpu.memory_space<vmem>>, vector<1x16xf32>,
        %get3A_822 = vector.shape_cast %get3A_821 : vector<1x16xf32> to vector<16xf32>
        %get3A_823 = arith.index_cast %add3A_818 : i32 to index
        %get3A_824 = arith.constant 0 : index
        %get3A_825 = tpu.vector_load %arg12[%get3A_823, %get3A_824] {strides = array<i32>} : memref<512x16xf32, #tpu.memory_space<vmem>>, vector<1x16xf32>,
        %get3A_826 = vector.shape_cast %get3A_825 : vector<1x16xf32> to vector<16xf32>
        %add3A_827 = arith.addf %get3A_822, %get3A_826 : vector<16xf32>
        %ge3A_828 = arith.constant 0.000000e+00 : f32
        %ge3A_829 = vector.broadcast %ge3A_828 : f32 to vector<16xf32>
        %ge3A_830 = arith.cmpf oge, %add3A_827, %ge3A_829 : vector<16xf32>
        %mul3A_831 = arith.constant 2.000000e-01 : f32
        %mul3A_832 = vector.broadcast %mul3A_831 : f32 to vector<16xf32>
        %mul3A_833 = arith.mulf %add3A_827, %mul3A_832 : vector<16xf32>
        %select_n3A_834 = arith.select %ge3A_830, %add3A_827, %mul3A_833 : vector<16xi1>, vector<16xf32>
        %exp3A_835 = math.exp %select_n3A_834 : vector<16xf32>
        %jit3A_836 = arith.constant 0.000000e+00 : f32
        %broadcast_in_dim3A_837 = vector.broadcast %jit3A_836 : f32 to vector<16xf32>
        %select_n3A_838 = arith.select %lt3A_2, %exp3A_835, %broadcast_in_dim3A_837 : vector<16xi1>, vector<16xf32>
        %swap3A_839 = arith.index_cast %add3A_818 : i32 to index
        %swap3A_840 = arith.constant 16 : index
        %swap3A_841 = tpu.vector_load %arg13[%swap3A_839, %swap3A_840] {strides = array<i32>} : memref<512x32xf32, #tpu.memory_space<vmem>>, vector<1x16xf32>,
        %swap3A_842 = vector.shape_cast %swap3A_841 : vector<1x16xf32> to vector<16xf32>
        %swap3A_843 = vector.shape_cast %select_n3A_838 : vector<16xf32> to vector<1x16xf32>
        tpu.vector_store %arg13[%swap3A_839, %swap3A_840], %swap3A_843 {strides = array<i32>} : memref<512x32xf32, #tpu.memory_space<vmem>>, vector<1x16xf32>,
        %get3A_844 = arith.index_cast %add3A_818 : i32 to index
        %get3A_845 = arith.constant 0 : index
        %get3A_846 = tpu.vector_load %arg13[%get3A_844, %get3A_845] {strides = array<i32>} : memref<512x32xf32, #tpu.memory_space<vmem>>, vector<1x16xf32>,
        %get3A_847 = vector.shape_cast %get3A_846 : vector<1x16xf32> to vector<16xf32>
        %slice3A_848 = vector.extract_strided_slice %exp3A_835 {offsets = [0], sizes = [1], strides = [1]} : vector<16xf32> to vector<1xf32>
        %squeeze3A_849 = vector.extract %slice3A_848[0] : f32 from vector<1xf32>
        %mul3A_850 = vector.broadcast %squeeze3A_849 : f32 to vector<16xf32>
        %mul3A_851 = arith.mulf %get3A_847, %mul3A_850 : vector<16xf32>
        %swap3A_852 = arith.index_cast %add3A_818 : i32 to index
        %swap3A_853 = arith.constant 0 : index
        %swap3A_854 = tpu.vector_load %arg13[%swap3A_852, %swap3A_853] {strides = array<i32>} : memref<512x32xf32, #tpu.memory_space<vmem>>, vector<1x16xf32>,
        %swap3A_855 = vector.shape_cast %swap3A_854 : vector<1x16xf32> to vector<16xf32>
        %swap3A_856 = vector.shape_cast %mul3A_851 : vector<16xf32> to vector<1x16xf32>
        tpu.vector_store %arg13[%swap3A_852, %swap3A_853], %swap3A_856 {strides = array<i32>} : memref<512x32xf32, #tpu.memory_space<vmem>>, vector<1x16xf32>,
        %add3A_857 = arith.constant 12 : i32
        %add3A_858 = arith.addi %mul3A_361, %add3A_857 : i32
        %get3A_859 = arith.index_cast %add3A_858 : i32 to index
        %get3A_860 = arith.constant 0 : index
        %get3A_861 = tpu.vector_load %arg11[%get3A_859, %get3A_860] {strides = array<i32>} : memref<512x16xf32, #tpu.memory_space<vmem>>, vector<1x16xf32>,
        %get3A_862 = vector.shape_cast %get3A_861 : vector<1x16xf32> to vector<16xf32>
        %get3A_863 = arith.index_cast %add3A_858 : i32 to index
        %get3A_864 = arith.constant 0 : index
        %get3A_865 = tpu.vector_load %arg12[%get3A_863, %get3A_864] {strides = array<i32>} : memref<512x16xf32, #tpu.memory_space<vmem>>, vector<1x16xf32>,
        %get3A_866 = vector.shape_cast %get3A_865 : vector<1x16xf32> to vector<16xf32>
        %add3A_867 = arith.addf %get3A_862, %get3A_866 : vector<16xf32>
        %ge3A_868 = arith.constant 0.000000e+00 : f32
        %ge3A_869 = vector.broadcast %ge3A_868 : f32 to vector<16xf32>
        %ge3A_870 = arith.cmpf oge, %add3A_867, %ge3A_869 : vector<16xf32>
        %mul3A_871 = arith.constant 2.000000e-01 : f32
        %mul3A_872 = vector.broadcast %mul3A_871 : f32 to vector<16xf32>
        %mul3A_873 = arith.mulf %add3A_867, %mul3A_872 : vector<16xf32>
        %select_n3A_874 = arith.select %ge3A_870, %add3A_867, %mul3A_873 : vector<16xi1>, vector<16xf32>
        %exp3A_875 = math.exp %select_n3A_874 : vector<16xf32>
        %jit3A_876 = arith.constant 0.000000e+00 : f32
        %broadcast_in_dim3A_877 = vector.broadcast %jit3A_876 : f32 to vector<16xf32>
        %select_n3A_878 = arith.select %lt3A_2, %exp3A_875, %broadcast_in_dim3A_877 : vector<16xi1>, vector<16xf32>
        %swap3A_879 = arith.index_cast %add3A_858 : i32 to index
        %swap3A_880 = arith.constant 16 : index
        %swap3A_881 = tpu.vector_load %arg13[%swap3A_879, %swap3A_880] {strides = array<i32>} : memref<512x32xf32, #tpu.memory_space<vmem>>, vector<1x16xf32>,
        %swap3A_882 = vector.shape_cast %swap3A_881 : vector<1x16xf32> to vector<16xf32>
        %swap3A_883 = vector.shape_cast %select_n3A_878 : vector<16xf32> to vector<1x16xf32>
        tpu.vector_store %arg13[%swap3A_879, %swap3A_880], %swap3A_883 {strides = array<i32>} : memref<512x32xf32, #tpu.memory_space<vmem>>, vector<1x16xf32>,
        %get3A_884 = arith.index_cast %add3A_858 : i32 to index
        %get3A_885 = arith.constant 0 : index
        %get3A_886 = tpu.vector_load %arg13[%get3A_884, %get3A_885] {strides = array<i32>} : memref<512x32xf32, #tpu.memory_space<vmem>>, vector<1x16xf32>,
        %get3A_887 = vector.shape_cast %get3A_886 : vector<1x16xf32> to vector<16xf32>
        %slice3A_888 = vector.extract_strided_slice %exp3A_875 {offsets = [0], sizes = [1], strides = [1]} : vector<16xf32> to vector<1xf32>
        %squeeze3A_889 = vector.extract %slice3A_888[0] : f32 from vector<1xf32>
        %mul3A_890 = vector.broadcast %squeeze3A_889 : f32 to vector<16xf32>
        %mul3A_891 = arith.mulf %get3A_887, %mul3A_890 : vector<16xf32>
        %swap3A_892 = arith.index_cast %add3A_858 : i32 to index
        %swap3A_893 = arith.constant 0 : index
        %swap3A_894 = tpu.vector_load %arg13[%swap3A_892, %swap3A_893] {strides = array<i32>} : memref<512x32xf32, #tpu.memory_space<vmem>>, vector<1x16xf32>,
        %swap3A_895 = vector.shape_cast %swap3A_894 : vector<1x16xf32> to vector<16xf32>
        %swap3A_896 = vector.shape_cast %mul3A_891 : vector<16xf32> to vector<1x16xf32>
        tpu.vector_store %arg13[%swap3A_892, %swap3A_893], %swap3A_896 {strides = array<i32>} : memref<512x32xf32, #tpu.memory_space<vmem>>, vector<1x16xf32>,
        %add3A_897 = arith.constant 13 : i32
        %add3A_898 = arith.addi %mul3A_361, %add3A_897 : i32
        %get3A_899 = arith.index_cast %add3A_898 : i32 to index
        %get3A_900 = arith.constant 0 : index
        %get3A_901 = tpu.vector_load %arg11[%get3A_899, %get3A_900] {strides = array<i32>} : memref<512x16xf32, #tpu.memory_space<vmem>>, vector<1x16xf32>,
        %get3A_902 = vector.shape_cast %get3A_901 : vector<1x16xf32> to vector<16xf32>
        %get3A_903 = arith.index_cast %add3A_898 : i32 to index
        %get3A_904 = arith.constant 0 : index
        %get3A_905 = tpu.vector_load %arg12[%get3A_903, %get3A_904] {strides = array<i32>} : memref<512x16xf32, #tpu.memory_space<vmem>>, vector<1x16xf32>,
        %get3A_906 = vector.shape_cast %get3A_905 : vector<1x16xf32> to vector<16xf32>
        %add3A_907 = arith.addf %get3A_902, %get3A_906 : vector<16xf32>
        %ge3A_908 = arith.constant 0.000000e+00 : f32
        %ge3A_909 = vector.broadcast %ge3A_908 : f32 to vector<16xf32>
        %ge3A_910 = arith.cmpf oge, %add3A_907, %ge3A_909 : vector<16xf32>
        %mul3A_911 = arith.constant 2.000000e-01 : f32
        %mul3A_912 = vector.broadcast %mul3A_911 : f32 to vector<16xf32>
        %mul3A_913 = arith.mulf %add3A_907, %mul3A_912 : vector<16xf32>
        %select_n3A_914 = arith.select %ge3A_910, %add3A_907, %mul3A_913 : vector<16xi1>, vector<16xf32>
        %exp3A_915 = math.exp %select_n3A_914 : vector<16xf32>
        %jit3A_916 = arith.constant 0.000000e+00 : f32
        %broadcast_in_dim3A_917 = vector.broadcast %jit3A_916 : f32 to vector<16xf32>
        %select_n3A_918 = arith.select %lt3A_2, %exp3A_915, %broadcast_in_dim3A_917 : vector<16xi1>, vector<16xf32>
        %swap3A_919 = arith.index_cast %add3A_898 : i32 to index
        %swap3A_920 = arith.constant 16 : index
        %swap3A_921 = tpu.vector_load %arg13[%swap3A_919, %swap3A_920] {strides = array<i32>} : memref<512x32xf32, #tpu.memory_space<vmem>>, vector<1x16xf32>,
        %swap3A_922 = vector.shape_cast %swap3A_921 : vector<1x16xf32> to vector<16xf32>
        %swap3A_923 = vector.shape_cast %select_n3A_918 : vector<16xf32> to vector<1x16xf32>
        tpu.vector_store %arg13[%swap3A_919, %swap3A_920], %swap3A_923 {strides = array<i32>} : memref<512x32xf32, #tpu.memory_space<vmem>>, vector<1x16xf32>,
        %get3A_924 = arith.index_cast %add3A_898 : i32 to index
        %get3A_925 = arith.constant 0 : index
        %get3A_926 = tpu.vector_load %arg13[%get3A_924, %get3A_925] {strides = array<i32>} : memref<512x32xf32, #tpu.memory_space<vmem>>, vector<1x16xf32>,
        %get3A_927 = vector.shape_cast %get3A_926 : vector<1x16xf32> to vector<16xf32>
        %slice3A_928 = vector.extract_strided_slice %exp3A_915 {offsets = [0], sizes = [1], strides = [1]} : vector<16xf32> to vector<1xf32>
        %squeeze3A_929 = vector.extract %slice3A_928[0] : f32 from vector<1xf32>
        %mul3A_930 = vector.broadcast %squeeze3A_929 : f32 to vector<16xf32>
        %mul3A_931 = arith.mulf %get3A_927, %mul3A_930 : vector<16xf32>
        %swap3A_932 = arith.index_cast %add3A_898 : i32 to index
        %swap3A_933 = arith.constant 0 : index
        %swap3A_934 = tpu.vector_load %arg13[%swap3A_932, %swap3A_933] {strides = array<i32>} : memref<512x32xf32, #tpu.memory_space<vmem>>, vector<1x16xf32>,
        %swap3A_935 = vector.shape_cast %swap3A_934 : vector<1x16xf32> to vector<16xf32>
        %swap3A_936 = vector.shape_cast %mul3A_931 : vector<16xf32> to vector<1x16xf32>
        tpu.vector_store %arg13[%swap3A_932, %swap3A_933], %swap3A_936 {strides = array<i32>} : memref<512x32xf32, #tpu.memory_space<vmem>>, vector<1x16xf32>,
        %add3A_937 = arith.constant 14 : i32
        %add3A_938 = arith.addi %mul3A_361, %add3A_937 : i32
        %get3A_939 = arith.index_cast %add3A_938 : i32 to index
        %get3A_940 = arith.constant 0 : index
        %get3A_941 = tpu.vector_load %arg11[%get3A_939, %get3A_940] {strides = array<i32>} : memref<512x16xf32, #tpu.memory_space<vmem>>, vector<1x16xf32>,
        %get3A_942 = vector.shape_cast %get3A_941 : vector<1x16xf32> to vector<16xf32>
        %get3A_943 = arith.index_cast %add3A_938 : i32 to index
        %get3A_944 = arith.constant 0 : index
        %get3A_945 = tpu.vector_load %arg12[%get3A_943, %get3A_944] {strides = array<i32>} : memref<512x16xf32, #tpu.memory_space<vmem>>, vector<1x16xf32>,
        %get3A_946 = vector.shape_cast %get3A_945 : vector<1x16xf32> to vector<16xf32>
        %add3A_947 = arith.addf %get3A_942, %get3A_946 : vector<16xf32>
        %ge3A_948 = arith.constant 0.000000e+00 : f32
        %ge3A_949 = vector.broadcast %ge3A_948 : f32 to vector<16xf32>
        %ge3A_950 = arith.cmpf oge, %add3A_947, %ge3A_949 : vector<16xf32>
        %mul3A_951 = arith.constant 2.000000e-01 : f32
        %mul3A_952 = vector.broadcast %mul3A_951 : f32 to vector<16xf32>
        %mul3A_953 = arith.mulf %add3A_947, %mul3A_952 : vector<16xf32>
        %select_n3A_954 = arith.select %ge3A_950, %add3A_947, %mul3A_953 : vector<16xi1>, vector<16xf32>
        %exp3A_955 = math.exp %select_n3A_954 : vector<16xf32>
        %jit3A_956 = arith.constant 0.000000e+00 : f32
        %broadcast_in_dim3A_957 = vector.broadcast %jit3A_956 : f32 to vector<16xf32>
        %select_n3A_958 = arith.select %lt3A_2, %exp3A_955, %broadcast_in_dim3A_957 : vector<16xi1>, vector<16xf32>
        %swap3A_959 = arith.index_cast %add3A_938 : i32 to index
        %swap3A_960 = arith.constant 16 : index
        %swap3A_961 = tpu.vector_load %arg13[%swap3A_959, %swap3A_960] {strides = array<i32>} : memref<512x32xf32, #tpu.memory_space<vmem>>, vector<1x16xf32>,
        %swap3A_962 = vector.shape_cast %swap3A_961 : vector<1x16xf32> to vector<16xf32>
        %swap3A_963 = vector.shape_cast %select_n3A_958 : vector<16xf32> to vector<1x16xf32>
        tpu.vector_store %arg13[%swap3A_959, %swap3A_960], %swap3A_963 {strides = array<i32>} : memref<512x32xf32, #tpu.memory_space<vmem>>, vector<1x16xf32>,
        %get3A_964 = arith.index_cast %add3A_938 : i32 to index
        %get3A_965 = arith.constant 0 : index
        %get3A_966 = tpu.vector_load %arg13[%get3A_964, %get3A_965] {strides = array<i32>} : memref<512x32xf32, #tpu.memory_space<vmem>>, vector<1x16xf32>,
        %get3A_967 = vector.shape_cast %get3A_966 : vector<1x16xf32> to vector<16xf32>
        %slice3A_968 = vector.extract_strided_slice %exp3A_955 {offsets = [0], sizes = [1], strides = [1]} : vector<16xf32> to vector<1xf32>
        %squeeze3A_969 = vector.extract %slice3A_968[0] : f32 from vector<1xf32>
        %mul3A_970 = vector.broadcast %squeeze3A_969 : f32 to vector<16xf32>
        %mul3A_971 = arith.mulf %get3A_967, %mul3A_970 : vector<16xf32>
        %swap3A_972 = arith.index_cast %add3A_938 : i32 to index
        %swap3A_973 = arith.constant 0 : index
        %swap3A_974 = tpu.vector_load %arg13[%swap3A_972, %swap3A_973] {strides = array<i32>} : memref<512x32xf32, #tpu.memory_space<vmem>>, vector<1x16xf32>,
        %swap3A_975 = vector.shape_cast %swap3A_974 : vector<1x16xf32> to vector<16xf32>
        %swap3A_976 = vector.shape_cast %mul3A_971 : vector<16xf32> to vector<1x16xf32>
        tpu.vector_store %arg13[%swap3A_972, %swap3A_973], %swap3A_976 {strides = array<i32>} : memref<512x32xf32, #tpu.memory_space<vmem>>, vector<1x16xf32>,
        %add3A_977 = arith.constant 15 : i32
        %add3A_978 = arith.addi %mul3A_361, %add3A_977 : i32
        %get3A_979 = arith.index_cast %add3A_978 : i32 to index
        %get3A_980 = arith.constant 0 : index
        %get3A_981 = tpu.vector_load %arg11[%get3A_979, %get3A_980] {strides = array<i32>} : memref<512x16xf32, #tpu.memory_space<vmem>>, vector<1x16xf32>,
        %get3A_982 = vector.shape_cast %get3A_981 : vector<1x16xf32> to vector<16xf32>
        %get3A_983 = arith.index_cast %add3A_978 : i32 to index
        %get3A_984 = arith.constant 0 : index
        %get3A_985 = tpu.vector_load %arg12[%get3A_983, %get3A_984] {strides = array<i32>} : memref<512x16xf32, #tpu.memory_space<vmem>>, vector<1x16xf32>,
        %get3A_986 = vector.shape_cast %get3A_985 : vector<1x16xf32> to vector<16xf32>
        %add3A_987 = arith.addf %get3A_982, %get3A_986 : vector<16xf32>
        %ge3A_988 = arith.constant 0.000000e+00 : f32
        %ge3A_989 = vector.broadcast %ge3A_988 : f32 to vector<16xf32>
        %ge3A_990 = arith.cmpf oge, %add3A_987, %ge3A_989 : vector<16xf32>
        %mul3A_991 = arith.constant 2.000000e-01 : f32
        %mul3A_992 = vector.broadcast %mul3A_991 : f32 to vector<16xf32>
        %mul3A_993 = arith.mulf %add3A_987, %mul3A_992 : vector<16xf32>
        %select_n3A_994 = arith.select %ge3A_990, %add3A_987, %mul3A_993 : vector<16xi1>, vector<16xf32>
        %exp3A_995 = math.exp %select_n3A_994 : vector<16xf32>
        %jit3A_996 = arith.constant 0.000000e+00 : f32
        %broadcast_in_dim3A_997 = vector.broadcast %jit3A_996 : f32 to vector<16xf32>
        %select_n3A_998 = arith.select %lt3A_2, %exp3A_995, %broadcast_in_dim3A_997 : vector<16xi1>, vector<16xf32>
        %swap3A_999 = arith.index_cast %add3A_978 : i32 to index
        %swap3A_1000 = arith.constant 16 : index
        %swap3A_1001 = tpu.vector_load %arg13[%swap3A_999, %swap3A_1000] {strides = array<i32>} : memref<512x32xf32, #tpu.memory_space<vmem>>, vector<1x16xf32>,
        %swap3A_1002 = vector.shape_cast %swap3A_1001 : vector<1x16xf32> to vector<16xf32>
        %swap3A_1003 = vector.shape_cast %select_n3A_998 : vector<16xf32> to vector<1x16xf32>
        tpu.vector_store %arg13[%swap3A_999, %swap3A_1000], %swap3A_1003 {strides = array<i32>} : memref<512x32xf32, #tpu.memory_space<vmem>>, vector<1x16xf32>,
        %get3A_1004 = arith.index_cast %add3A_978 : i32 to index
        %get3A_1005 = arith.constant 0 : index
        %get3A_1006 = tpu.vector_load %arg13[%get3A_1004, %get3A_1005] {strides = array<i32>} : memref<512x32xf32, #tpu.memory_space<vmem>>, vector<1x16xf32>,
        %get3A_1007 = vector.shape_cast %get3A_1006 : vector<1x16xf32> to vector<16xf32>
        %slice3A_1008 = vector.extract_strided_slice %exp3A_995 {offsets = [0], sizes = [1], strides = [1]} : vector<16xf32> to vector<1xf32>
        %squeeze3A_1009 = vector.extract %slice3A_1008[0] : f32 from vector<1xf32>
        %mul3A_1010 = vector.broadcast %squeeze3A_1009 : f32 to vector<16xf32>
        %mul3A_1011 = arith.mulf %get3A_1007, %mul3A_1010 : vector<16xf32>
        %swap3A_1012 = arith.index_cast %add3A_978 : i32 to index
        %swap3A_1013 = arith.constant 0 : index
        %swap3A_1014 = tpu.vector_load %arg13[%swap3A_1012, %swap3A_1013] {strides = array<i32>} : memref<512x32xf32, #tpu.memory_space<vmem>>, vector<1x16xf32>,
        %swap3A_1015 = vector.shape_cast %swap3A_1014 : vector<1x16xf32> to vector<16xf32>
        %swap3A_1016 = vector.shape_cast %mul3A_1011 : vector<16xf32> to vector<1x16xf32>
        tpu.vector_store %arg13[%swap3A_1012, %swap3A_1013], %swap3A_1016 {strides = array<i32>} : memref<512x32xf32, #tpu.memory_space<vmem>>, vector<1x16xf32>,
        "tpu.region"() ({
          %run_scoped3A = tpu.sem_alloc : memref<!tpu.dma_semaphore, #tpu.memory_space<semaphore_mem>>
          %dma_start3A_1017 = arith.constant 0 : i32
          %dma_start3A_1018 = tpu.memref_slice %arg13[%mul3A_361, %dma_start3A_1017] : memref<512x32xf32, #tpu.memory_space<vmem>> -> memref<16x32xf32, #tpu.memory_space<vmem>>
          %dma_start3A_1019 = arith.constant 0 : i32
          %dma_start3A_1020 = arith.constant 0 : i32
          %dma_start3A_1021 = tpu.memref_slice %arg14[%dma_start3A_1019, %dma_start3A_1020] : memref<25088x32xf32, #tpu.memory_space<vmem_shared>> -> memref<25088x32xf32, #tpu.memory_space<vmem_shared>>
          tpu.enqueue_indirect_dma source(%dma_start3A_1018 : memref<16x32xf32, #tpu.memory_space<vmem>>) target(%dma_start3A_1021 : memref<25088x32xf32, #tpu.memory_space<vmem_shared>>) offsets(%select_n3A_380 : vector<16xi32>) semaphore(%run_scoped3A : memref<!tpu.dma_semaphore, #tpu.memory_space<semaphore_mem>>) {add = true}
          %dma_wait3A_1022 = arith.constant 0 : i32
          %dma_wait3A_1023 = tpu.memref_slice %arg13[%mul3A_361, %dma_wait3A_1022] : memref<512x32xf32, #tpu.memory_space<vmem>> -> memref<16x32xf32, #tpu.memory_space<vmem>>
          %dma_wait3A_1024 = arith.constant 0 : i32
          %dma_wait3A_1025 = arith.constant 0 : i32
          %dma_wait3A_1026 = tpu.memref_slice %arg14[%dma_wait3A_1024, %dma_wait3A_1025] : memref<25088x32xf32, #tpu.memory_space<vmem_shared>> -> memref<25088x32xf32, #tpu.memory_space<vmem_shared>>
          tpu.wait_indirect_dma semaphore(%run_scoped3A : memref<!tpu.dma_semaphore, #tpu.memory_space<semaphore_mem>>) src(%dma_wait3A_1023 : memref<16x32xf32, #tpu.memory_space<vmem>>) dst(%dma_wait3A_1026 : memref<25088x32xf32, #tpu.memory_space<vmem_shared>>)
          tpu.yield
        }) : () -> ()
      }
      %scan3A_317 = arith.constant 32 : i32
    }
    %scan3A_10 = arith.constant 104 : i32
    %barrier3A_11 = arith.constant 0 : index
    tpu.barrier barrier_id(%barrier3A_11)
    %sub3A = arith.constant 3125 : i32
    %sub3A_12 = arith.subi %sub3A, %arg1 : i32
    %add3A_13 = arith.constant 16 : i32
    %add3A_14 = arith.addi %sub3A_12, %add3A_13 : i32
    %sub3A_15 = arith.constant 1 : i32
    %sub3A_16 = arith.subi %add3A_14, %sub3A_15 : i32
    %jit3A = arith.constant 16 : i32
    %div3A = arith.divsi %sub3A_16, %jit3A : i32
    %sign3A = arith.constant 0 : i32
    %sign3A_17 = arith.cmpi sgt, %sub3A_16, %sign3A : i32
    %sign3A_18 = arith.extui %sign3A_17 : i1 to i32
    %sign3A_19 = arith.constant 0 : i32
    %sign3A_20 = arith.cmpi slt, %sub3A_16, %sign3A_19 : i32
    %sign3A_21 = arith.extui %sign3A_20 : i1 to i32
    %sign3A_22 = arith.subi %sign3A_18, %sign3A_21 : i32
    %sign3A_23 = arith.constant 0 : i32
    %sign3A_24 = arith.cmpi sgt, %jit3A, %sign3A_23 : i32
    %sign3A_25 = arith.extui %sign3A_24 : i1 to i32
    %sign3A_26 = arith.constant 0 : i32
    %sign3A_27 = arith.cmpi slt, %jit3A, %sign3A_26 : i32
    %sign3A_28 = arith.extui %sign3A_27 : i1 to i32
    %sign3A_29 = arith.subi %sign3A_25, %sign3A_28 : i32
    %ne3A = arith.cmpi ne, %sign3A_22, %sign3A_29 : i32
    %rem3A = arith.remsi %sub3A_16, %jit3A : i32
    %ne3A_30 = arith.constant 0 : i32
    %ne3A_31 = arith.cmpi ne, %rem3A, %ne3A_30 : i32
    %and3A = arith.andi %ne3A, %ne3A_31 : i1
    %sub3A_32 = arith.constant 1 : i32
    %sub3A_33 = arith.subi %div3A, %sub3A_32 : i32
    %select_n3A = arith.select %and3A, %sub3A_33, %div3A : i32
    %while3A = arith.constant 0 : i32
    %while3A_34 = arith.constant 0 : i32
    %while3A_35 = arith.subi %select_n3A, %while3A_34 : i32
    %while3A_36 = arith.addi %while3A_34, %while3A_35 : i32
    %while3A_37 = arith.constant 1 : i32
    %while3A_38 = arith.divsi %while3A_35, %while3A_37 : i32
    %while3A_39 = arith.muli %while3A_38, %while3A_37 : i32
    %while3A_40 = arith.addi %while3A_34, %while3A_39 : i32
    %while3A_41 = arith.constant 1 : i32
    scf.for %while3A_43 = %while3A_34 to %while3A_40 step %while3A_41  : i32 {
      %mul3A_44 = arith.constant 16 : i32
      %mul3A_45 = arith.muli %while3A_43, %mul3A_44 : i32
      %add3A_46 = arith.addi %arg1, %mul3A_45 : i32
      %mul3A_47 = arith.constant 8 : i32
      %mul3A_48 = arith.muli %add3A_46, %mul3A_47 : i32
      %multiple_of3A_49 = tpu.assume_multiple %mul3A_48, 8 : i32
      %mul3A_50 = arith.constant 8 : i32
      %mul3A_51 = arith.muli %add3A_46, %mul3A_50 : i32
      %add3A_52 = arith.addi %mul3A_0, %mul3A_51 : i32
      %multiple_of3A_53 = tpu.assume_multiple %add3A_52, 8 : i32
      "tpu.region"() ({
        %run_scoped3A = tpu.sem_alloc : memref<!tpu.dma_semaphore, #tpu.memory_space<semaphore_mem>>
        %dma_start3A = arith.constant 0 : i32
        %dma_start3A_54 = tpu.memref_slice %arg8[%multiple_of3A_53, %dma_start3A] : memref<50000x32xf32, #tpu.memory_space<hbm>> -> memref<8x32xf32, #tpu.memory_space<hbm>>
        %dma_start3A_55 = arith.constant 0 : i32
        %dma_start3A_56 = tpu.memref_slice %arg14[%multiple_of3A_49, %dma_start3A_55] : memref<25088x32xf32, #tpu.memory_space<vmem_shared>> -> memref<8x32xf32, #tpu.memory_space<vmem_shared>>
        tpu.enqueue_dma source(%dma_start3A_56 : memref<8x32xf32, #tpu.memory_space<vmem_shared>>) target(%dma_start3A_54 : memref<8x32xf32, #tpu.memory_space<hbm>>) target_semaphore(%run_scoped3A : memref<!tpu.dma_semaphore, #tpu.memory_space<semaphore_mem>>)
        %dma_wait3A = arith.constant 0 : i32
        %dma_wait3A_57 = tpu.memref_slice %arg8[%multiple_of3A_53, %dma_wait3A] : memref<50000x32xf32, #tpu.memory_space<hbm>> -> memref<8x32xf32, #tpu.memory_space<hbm>>
        %dma_wait3A_58 = arith.constant 0 : i32
        %dma_wait3A_59 = tpu.memref_slice %arg14[%multiple_of3A_49, %dma_wait3A_58] : memref<25088x32xf32, #tpu.memory_space<vmem_shared>> -> memref<8x32xf32, #tpu.memory_space<vmem_shared>>
        tpu.wait_dma2 semaphore(%run_scoped3A : memref<!tpu.dma_semaphore, #tpu.memory_space<semaphore_mem>>) src(%dma_wait3A_59 : memref<8x32xf32, #tpu.memory_space<vmem_shared>>) dst(%dma_wait3A_57 : memref<8x32xf32, #tpu.memory_space<hbm>>)
        tpu.yield
      }) : () -> ()
    }
    %while3A_42 = arith.constant 1 : i32
    scf.for %while3A_43 = %while3A_40 to %while3A_36 step %while3A_42  : i32 {
      %mul3A_44 = arith.constant 16 : i32
      %mul3A_45 = arith.muli %while3A_43, %mul3A_44 : i32
      %add3A_46 = arith.addi %arg1, %mul3A_45 : i32
      %mul3A_47 = arith.constant 8 : i32
      %mul3A_48 = arith.muli %add3A_46, %mul3A_47 : i32
      %multiple_of3A_49 = tpu.assume_multiple %mul3A_48, 8 : i32
      %mul3A_50 = arith.constant 8 : i32
      %mul3A_51 = arith.muli %add3A_46, %mul3A_50 : i32
      %add3A_52 = arith.addi %mul3A_0, %mul3A_51 : i32
      %multiple_of3A_53 = tpu.assume_multiple %add3A_52, 8 : i32
      "tpu.region"() ({
        %run_scoped3A = tpu.sem_alloc : memref<!tpu.dma_semaphore, #tpu.memory_space<semaphore_mem>>
        %dma_start3A = arith.constant 0 : i32
        %dma_start3A_54 = tpu.memref_slice %arg8[%multiple_of3A_53, %dma_start3A] : memref<50000x32xf32, #tpu.memory_space<hbm>> -> memref<8x32xf32, #tpu.memory_space<hbm>>
        %dma_start3A_55 = arith.constant 0 : i32
        %dma_start3A_56 = tpu.memref_slice %arg14[%multiple_of3A_49, %dma_start3A_55] : memref<25088x32xf32, #tpu.memory_space<vmem_shared>> -> memref<8x32xf32, #tpu.memory_space<vmem_shared>>
        tpu.enqueue_dma source(%dma_start3A_56 : memref<8x32xf32, #tpu.memory_space<vmem_shared>>) target(%dma_start3A_54 : memref<8x32xf32, #tpu.memory_space<hbm>>) target_semaphore(%run_scoped3A : memref<!tpu.dma_semaphore, #tpu.memory_space<semaphore_mem>>)
        %dma_wait3A = arith.constant 0 : i32
        %dma_wait3A_57 = tpu.memref_slice %arg8[%multiple_of3A_53, %dma_wait3A] : memref<50000x32xf32, #tpu.memory_space<hbm>> -> memref<8x32xf32, #tpu.memory_space<hbm>>
        %dma_wait3A_58 = arith.constant 0 : i32
        %dma_wait3A_59 = tpu.memref_slice %arg14[%multiple_of3A_49, %dma_wait3A_58] : memref<25088x32xf32, #tpu.memory_space<vmem_shared>> -> memref<8x32xf32, #tpu.memory_space<vmem_shared>>
        tpu.wait_dma2 semaphore(%run_scoped3A : memref<!tpu.dma_semaphore, #tpu.memory_space<semaphore_mem>>) src(%dma_wait3A_59 : memref<8x32xf32, #tpu.memory_space<vmem_shared>>) dst(%dma_wait3A_57 : memref<8x32xf32, #tpu.memory_space<hbm>>)
        tpu.yield
      }) : () -> ()
    }
    return
  }
}

module attributes {stable_mosaic.version = 14 : i64} {
  func.func @_node1_body(%arg0: i32, %arg1: memref<400x128xf32, #tpu.memory_space<vmem>>, %arg2: memref<128x64xf32, #tpu.memory_space<vmem>>, %arg3: memref<64x16xf32, #tpu.memory_space<vmem>>, %arg4: memref<64x16xf32, #tpu.memory_space<vmem>>, %arg5: memref<400x80xf32, #tpu.memory_space<vmem>>, %arg6: memref<400x16xf32, #tpu.memory_space<vmem>>, %arg7: memref<400x16xf32, #tpu.memory_space<vmem>>) attributes {dimension_semantics = [#tpu.dimension_semantics<arbitrary>], iteration_bounds = array<i64: 125>, scalar_prefetch = 0 : i64, scratch_operands = 0 : i64, tpu.core_type = #tpu.core_type<tc>, window_params = [{transform_indices = @transform_0, window_bounds = array<i64: 400, 128>}, {pipeline_mode = #tpu.pipeline_mode<synchronous>, transform_indices = @transform_1, window_bounds = array<i64: 128, 64>}, {pipeline_mode = #tpu.pipeline_mode<synchronous>, transform_indices = @transform_2, window_bounds = array<i64: 64, 16>}, {pipeline_mode = #tpu.pipeline_mode<synchronous>, transform_indices = @transform_3, window_bounds = array<i64: 64, 16>}, {transform_indices = @transform_4, window_bounds = array<i64: 400, 80>}, {transform_indices = @transform_5, window_bounds = array<i64: 400, 16>}, {transform_indices = @transform_6, window_bounds = array<i64: 400, 16>}]} {
    %get3A = arith.constant 0 : index
    %get3A_0 = arith.constant 0 : index
    %get3A_1 = vector.load %arg1[%get3A, %get3A_0] : memref<400x128xf32, #tpu.memory_space<vmem>>, vector<400x128xf32>
    %get3A_2 = arith.constant 0 : index
    %get3A_3 = arith.constant 0 : index
    %get3A_4 = vector.load %arg2[%get3A_2, %get3A_3] : memref<128x64xf32, #tpu.memory_space<vmem>>, vector<128x64xf32>
    %dot_general3A = arith.constant dense<0.000000e+00> : vector<400x64xf32>
    %dot_general3A_5 = tpu.matmul %get3A_1, %get3A_4, %dot_general3A {dimension_numbers = #tpu.dot_dimension_numbers<[1], [0], [0], [1], [0, 0, 1, 1], [], []>, transpose_lhs_hint = false} : vector<400x128xf32>, vector<128x64xf32>, vector<400x64xf32> -> vector<400x64xf32>
    %broadcast_in_dim3A = arith.constant 0.000000e+00 : f32
    %broadcast_in_dim3A_6 = vector.broadcast %broadcast_in_dim3A : f32 to vector<400x16xf32>
    %concatenate3A = tpu.concatenate %dot_general3A_5, %broadcast_in_dim3A_6 in 1 : vector<400x64xf32>, vector<400x16xf32> -> vector<400x80xf32>
    %swap3A = arith.constant 0 : index
    %swap3A_7 = arith.constant 0 : index
    %swap3A_8 = vector.load %arg5[%swap3A, %swap3A_7] : memref<400x80xf32, #tpu.memory_space<vmem>>, vector<400x80xf32>
    tpu.vector_store %arg5[%swap3A, %swap3A_7], %concatenate3A {strides = array<i32>} : memref<400x80xf32, #tpu.memory_space<vmem>>, vector<400x80xf32>,
    %get3A_9 = arith.constant 0 : index
    %get3A_10 = arith.constant 0 : index
    %get3A_11 = vector.load %arg3[%get3A_9, %get3A_10] : memref<64x16xf32, #tpu.memory_space<vmem>>, vector<64x16xf32>
    %dot_general3A_12 = arith.constant dense<0.000000e+00> : vector<400x16xf32>
    %dot_general3A_13 = tpu.matmul %dot_general3A_5, %get3A_11, %dot_general3A_12 {dimension_numbers = #tpu.dot_dimension_numbers<[1], [0], [0], [1], [0, 0, 1, 1], [], []>, transpose_lhs_hint = false} : vector<400x64xf32>, vector<64x16xf32>, vector<400x16xf32> -> vector<400x16xf32>
    %swap3A_14 = arith.constant 0 : index
    %swap3A_15 = arith.constant 0 : index
    %swap3A_16 = vector.load %arg6[%swap3A_14, %swap3A_15] : memref<400x16xf32, #tpu.memory_space<vmem>>, vector<400x16xf32>
    tpu.vector_store %arg6[%swap3A_14, %swap3A_15], %dot_general3A_13 {strides = array<i32>} : memref<400x16xf32, #tpu.memory_space<vmem>>, vector<400x16xf32>,
    %get3A_17 = arith.constant 0 : index
    %get3A_18 = arith.constant 0 : index
    %get3A_19 = vector.load %arg4[%get3A_17, %get3A_18] : memref<64x16xf32, #tpu.memory_space<vmem>>, vector<64x16xf32>
    %dot_general3A_20 = arith.constant dense<0.000000e+00> : vector<400x16xf32>
    %dot_general3A_21 = tpu.matmul %dot_general3A_5, %get3A_19, %dot_general3A_20 {dimension_numbers = #tpu.dot_dimension_numbers<[1], [0], [0], [1], [0, 0, 1, 1], [], []>, transpose_lhs_hint = false} : vector<400x64xf32>, vector<64x16xf32>, vector<400x16xf32> -> vector<400x16xf32>
    %swap3A_22 = arith.constant 0 : index
    %swap3A_23 = arith.constant 0 : index
    %swap3A_24 = vector.load %arg7[%swap3A_22, %swap3A_23] : memref<400x16xf32, #tpu.memory_space<vmem>>, vector<400x16xf32>
    tpu.vector_store %arg7[%swap3A_22, %swap3A_23], %dot_general3A_21 {strides = array<i32>} : memref<400x16xf32, #tpu.memory_space<vmem>>, vector<400x16xf32>,
    return
  }
  func.func @transform_0(%arg0: i32) -> (i32, i32) {
    %c0_i32 = arith.constant 0 : i32
    %c0_i32_0 = arith.constant 0 : i32
    return %arg0, %c0_i32 : i32, i32
  }
  func.func @transform_1(%arg0: i32) -> (i32, i32) {
    %c0_i32 = arith.constant 0 : i32
    %c0_i32_0 = arith.constant 0 : i32
    %c0_i32_1 = arith.constant 0 : i32
    return %c0_i32, %c0_i32_0 : i32, i32
  }
  func.func @transform_2(%arg0: i32) -> (i32, i32) {
    %c0_i32 = arith.constant 0 : i32
    %c0_i32_0 = arith.constant 0 : i32
    %c0_i32_1 = arith.constant 0 : i32
    return %c0_i32, %c0_i32_0 : i32, i32
  }
  func.func @transform_3(%arg0: i32) -> (i32, i32) {
    %c0_i32 = arith.constant 0 : i32
    %c0_i32_0 = arith.constant 0 : i32
    %c0_i32_1 = arith.constant 0 : i32
    return %c0_i32, %c0_i32_0 : i32, i32
  }
  func.func @transform_4(%arg0: i32) -> (i32, i32) {
    %c0_i32 = arith.constant 0 : i32
    %c0_i32_0 = arith.constant 0 : i32
    return %arg0, %c0_i32 : i32, i32
  }
  func.func @transform_5(%arg0: i32) -> (i32, i32) {
    %c0_i32 = arith.constant 0 : i32
    %c0_i32_0 = arith.constant 0 : i32
    return %arg0, %c0_i32 : i32, i32
  }
  func.func @transform_6(%arg0: i32) -> (i32, i32) {
    %c0_i32 = arith.constant 0 : i32
    %c0_i32_0 = arith.constant 0 : i32
    return %arg0, %c0_i32 : i32, i32
  }
}

module attributes {stable_mosaic.version = 14 : i64} {
  func.func @_mid_body(%arg0: i32, %arg1: memref<400x80xf32, #tpu.memory_space<vmem>>, %arg2: memref<8x64xf32, #tpu.memory_space<vmem>>, %arg3: memref<1x64xf32, #tpu.memory_space<vmem>>, %arg4: memref<64x16xf32, #tpu.memory_space<vmem>>, %arg5: memref<16x16xf32, #tpu.memory_space<vmem>>, %arg6: memref<16x16xf32, #tpu.memory_space<vmem>>, %arg7: memref<400x32xf32, #tpu.memory_space<vmem>>, %arg8: memref<400x16xf32, #tpu.memory_space<vmem>>, %arg9: memref<400x16xf32, #tpu.memory_space<vmem>>) attributes {dimension_semantics = [#tpu.dimension_semantics<arbitrary>], iteration_bounds = array<i64: 125>, scalar_prefetch = 0 : i64, scratch_operands = 0 : i64, tpu.core_type = #tpu.core_type<tc>, window_params = [{transform_indices = @transform_0, window_bounds = array<i64: 400, 80>}, {pipeline_mode = #tpu.pipeline_mode<synchronous>, transform_indices = @transform_1, window_bounds = array<i64: 8, 64>}, {pipeline_mode = #tpu.pipeline_mode<synchronous>, transform_indices = @transform_2, window_bounds = array<i64: 1, 64>}, {pipeline_mode = #tpu.pipeline_mode<synchronous>, transform_indices = @transform_3, window_bounds = array<i64: 64, 16>}, {pipeline_mode = #tpu.pipeline_mode<synchronous>, transform_indices = @transform_4, window_bounds = array<i64: 16, 16>}, {pipeline_mode = #tpu.pipeline_mode<synchronous>, transform_indices = @transform_5, window_bounds = array<i64: 16, 16>}, {transform_indices = @transform_6, window_bounds = array<i64: 400, 32>}, {transform_indices = @transform_7, window_bounds = array<i64: 400, 16>}, {transform_indices = @transform_8, window_bounds = array<i64: 400, 16>}]} {
    %get3A = arith.constant 0 : index
    %get3A_0 = arith.constant 0 : index
    %get3A_1 = vector.load %arg1[%get3A, %get3A_0] : memref<400x80xf32, #tpu.memory_space<vmem>>, vector<400x80xf32>
    %slice3A = vector.extract_strided_slice %get3A_1 {offsets = [0, 0], sizes = [400, 64], strides = [1, 1]} : vector<400x80xf32> to vector<400x64xf32>
    %slice3A_2 = vector.extract_strided_slice %get3A_1 {offsets = [0, 64], sizes = [400, 8], strides = [1, 1]} : vector<400x80xf32> to vector<400x8xf32>
    %add3A = arith.constant 1.000000e-16 : f32
    %add3A_3 = vector.broadcast %add3A : f32 to vector<400x8xf32>
    %add3A_4 = arith.addf %slice3A_2, %add3A_3 : vector<400x8xf32>
    %div3A = arith.constant 1.000000e+00 : f32
    %div3A_5 = vector.broadcast %div3A : f32 to vector<400x8xf32>
    %div3A_6 = arith.divf %div3A_5, %add3A_4 : vector<400x8xf32>
    %get3A_7 = arith.constant 0 : index
    %get3A_8 = arith.constant 0 : index
    %get3A_9 = vector.load %arg2[%get3A_7, %get3A_8] : memref<8x64xf32, #tpu.memory_space<vmem>>, vector<8x64xf32>
    %dot_general3A = arith.constant dense<0.000000e+00> : vector<400x64xf32>
    %dot_general3A_10 = tpu.matmul %div3A_6, %get3A_9, %dot_general3A {dimension_numbers = #tpu.dot_dimension_numbers<[1], [0], [0], [1], [0, 0, 1, 1], [], []>, transpose_lhs_hint = false} : vector<400x8xf32>, vector<8x64xf32>, vector<400x64xf32> -> vector<400x64xf32>
    %mul3A = arith.mulf %slice3A, %dot_general3A_10 : vector<400x64xf32>
    %get3A_11 = arith.constant 0 : index
    %get3A_12 = arith.constant 0 : index
    %get3A_13 = vector.load %arg3[%get3A_11, %get3A_12] : memref<1x64xf32, #tpu.memory_space<vmem>>, vector<1x64xf32>
    %add3A_14 = vector.broadcast %get3A_13 : vector<1x64xf32> to vector<400x64xf32>
    %add3A_15 = arith.addf %mul3A, %add3A_14 : vector<400x64xf32>
    %gt3A = arith.constant 0.000000e+00 : f32
    %gt3A_16 = vector.broadcast %gt3A : f32 to vector<400x64xf32>
    %gt3A_17 = arith.cmpf ogt, %add3A_15, %gt3A_16 : vector<400x64xf32>
    %min3A = arith.constant 0.000000e+00 : f32
    %min3A_18 = vector.broadcast %min3A : f32 to vector<400x64xf32>
    %min3A_19 = arith.minimumf %add3A_15, %min3A_18 : vector<400x64xf32>
    %exp3A = math.exp %min3A_19 : vector<400x64xf32>
    %sub3A = arith.constant 1.000000e+00 : f32
    %sub3A_20 = vector.broadcast %sub3A : f32 to vector<400x64xf32>
    %sub3A_21 = arith.subf %exp3A, %sub3A_20 : vector<400x64xf32>
    %select_n3A = arith.select %gt3A_17, %add3A_15, %sub3A_21 : vector<400x64xi1>, vector<400x64xf32>
    %get3A_22 = arith.constant 0 : index
    %get3A_23 = arith.constant 0 : index
    %get3A_24 = vector.load %arg4[%get3A_22, %get3A_23] : memref<64x16xf32, #tpu.memory_space<vmem>>, vector<64x16xf32>
    %dot_general3A_25 = arith.constant dense<0.000000e+00> : vector<400x16xf32>
    %dot_general3A_26 = tpu.matmul %select_n3A, %get3A_24, %dot_general3A_25 {dimension_numbers = #tpu.dot_dimension_numbers<[1], [0], [0], [1], [0, 0, 1, 1], [], []>, transpose_lhs_hint = false} : vector<400x64xf32>, vector<64x16xf32>, vector<400x16xf32> -> vector<400x16xf32>
    %broadcast_in_dim3A = arith.constant 0.000000e+00 : f32
    %broadcast_in_dim3A_27 = vector.broadcast %broadcast_in_dim3A : f32 to vector<400x16xf32>
    %concatenate3A = tpu.concatenate %dot_general3A_26, %broadcast_in_dim3A_27 in 1 : vector<400x16xf32>, vector<400x16xf32> -> vector<400x32xf32>
    %swap3A = arith.constant 0 : index
    %swap3A_28 = arith.constant 0 : index
    %swap3A_29 = vector.load %arg7[%swap3A, %swap3A_28] : memref<400x32xf32, #tpu.memory_space<vmem>>, vector<400x32xf32>
    tpu.vector_store %arg7[%swap3A, %swap3A_28], %concatenate3A {strides = array<i32>} : memref<400x32xf32, #tpu.memory_space<vmem>>, vector<400x32xf32>,
    %get3A_30 = arith.constant 0 : index
    %get3A_31 = arith.constant 0 : index
    %get3A_32 = vector.load %arg5[%get3A_30, %get3A_31] : memref<16x16xf32, #tpu.memory_space<vmem>>, vector<16x16xf32>
    %dot_general3A_33 = arith.constant dense<0.000000e+00> : vector<400x16xf32>
    %dot_general3A_34 = tpu.matmul %dot_general3A_26, %get3A_32, %dot_general3A_33 {dimension_numbers = #tpu.dot_dimension_numbers<[1], [0], [0], [1], [0, 0, 1, 1], [], []>, transpose_lhs_hint = false} : vector<400x16xf32>, vector<16x16xf32>, vector<400x16xf32> -> vector<400x16xf32>
    %swap3A_35 = arith.constant 0 : index
    %swap3A_36 = arith.constant 0 : index
    %swap3A_37 = vector.load %arg8[%swap3A_35, %swap3A_36] : memref<400x16xf32, #tpu.memory_space<vmem>>, vector<400x16xf32>
    tpu.vector_store %arg8[%swap3A_35, %swap3A_36], %dot_general3A_34 {strides = array<i32>} : memref<400x16xf32, #tpu.memory_space<vmem>>, vector<400x16xf32>,
    %get3A_38 = arith.constant 0 : index
    %get3A_39 = arith.constant 0 : index
    %get3A_40 = vector.load %arg6[%get3A_38, %get3A_39] : memref<16x16xf32, #tpu.memory_space<vmem>>, vector<16x16xf32>
    %dot_general3A_41 = arith.constant dense<0.000000e+00> : vector<400x16xf32>
    %dot_general3A_42 = tpu.matmul %dot_general3A_26, %get3A_40, %dot_general3A_41 {dimension_numbers = #tpu.dot_dimension_numbers<[1], [0], [0], [1], [0, 0, 1, 1], [], []>, transpose_lhs_hint = false} : vector<400x16xf32>, vector<16x16xf32>, vector<400x16xf32> -> vector<400x16xf32>
    %swap3A_43 = arith.constant 0 : index
    %swap3A_44 = arith.constant 0 : index
    %swap3A_45 = vector.load %arg9[%swap3A_43, %swap3A_44] : memref<400x16xf32, #tpu.memory_space<vmem>>, vector<400x16xf32>
    tpu.vector_store %arg9[%swap3A_43, %swap3A_44], %dot_general3A_42 {strides = array<i32>} : memref<400x16xf32, #tpu.memory_space<vmem>>, vector<400x16xf32>,
    return
  }
  func.func @transform_0(%arg0: i32) -> (i32, i32) {
    %c0_i32 = arith.constant 0 : i32
    %c0_i32_0 = arith.constant 0 : i32
    return %arg0, %c0_i32 : i32, i32
  }
  func.func @transform_1(%arg0: i32) -> (i32, i32) {
    %c0_i32 = arith.constant 0 : i32
    %c0_i32_0 = arith.constant 0 : i32
    %c0_i32_1 = arith.constant 0 : i32
    return %c0_i32, %c0_i32_0 : i32, i32
  }
  func.func @transform_2(%arg0: i32) -> (i32, i32) {
    %c0_i32 = arith.constant 0 : i32
    %c0_i32_0 = arith.constant 0 : i32
    %c0_i32_1 = arith.constant 0 : i32
    return %c0_i32, %c0_i32_0 : i32, i32
  }
  func.func @transform_3(%arg0: i32) -> (i32, i32) {
    %c0_i32 = arith.constant 0 : i32
    %c0_i32_0 = arith.constant 0 : i32
    %c0_i32_1 = arith.constant 0 : i32
    return %c0_i32, %c0_i32_0 : i32, i32
  }
  func.func @transform_4(%arg0: i32) -> (i32, i32) {
    %c0_i32 = arith.constant 0 : i32
    %c0_i32_0 = arith.constant 0 : i32
    %c0_i32_1 = arith.constant 0 : i32
    return %c0_i32, %c0_i32_0 : i32, i32
  }
  func.func @transform_5(%arg0: i32) -> (i32, i32) {
    %c0_i32 = arith.constant 0 : i32
    %c0_i32_0 = arith.constant 0 : i32
    %c0_i32_1 = arith.constant 0 : i32
    return %c0_i32, %c0_i32_0 : i32, i32
  }
  func.func @transform_6(%arg0: i32) -> (i32, i32) {
    %c0_i32 = arith.constant 0 : i32
    %c0_i32_0 = arith.constant 0 : i32
    return %arg0, %c0_i32 : i32, i32
  }
  func.func @transform_7(%arg0: i32) -> (i32, i32) {
    %c0_i32 = arith.constant 0 : i32
    %c0_i32_0 = arith.constant 0 : i32
    return %arg0, %c0_i32 : i32, i32
  }
  func.func @transform_8(%arg0: i32) -> (i32, i32) {
    %c0_i32 = arith.constant 0 : i32
    %c0_i32_0 = arith.constant 0 : i32
    return %arg0, %c0_i32 : i32, i32
  }
}

module attributes {stable_mosaic.version = 14 : i64} {
  func.func @_pool_body(%arg0: i32, %arg1: memref<2000x32xf32, #tpu.memory_space<vmem>>, %arg2: memref<1x16xf32, #tpu.memory_space<vmem>>, %arg3: memref<16x3xf32, #tpu.memory_space<vmem>>, %arg4: memref<1x3xf32, #tpu.memory_space<vmem>>, %arg5: memref<1x16xf32, #tpu.memory_space<vmem>>, %arg6: memref<1x3xf32, #tpu.memory_space<vmem>>) attributes {dimension_semantics = [#tpu.dimension_semantics<arbitrary>], iteration_bounds = array<i64: 25>, scalar_prefetch = 0 : i64, scratch_operands = 0 : i64, tpu.core_type = #tpu.core_type<tc>, window_params = [{transform_indices = @transform_0, window_bounds = array<i64: 2000, 32>}, {pipeline_mode = #tpu.pipeline_mode<synchronous>, transform_indices = @transform_1, window_bounds = array<i64: 1, 16>}, {pipeline_mode = #tpu.pipeline_mode<synchronous>, transform_indices = @transform_2, window_bounds = array<i64: 16, 3>}, {pipeline_mode = #tpu.pipeline_mode<synchronous>, transform_indices = @transform_3, window_bounds = array<i64: 1, 3>}, {pipeline_mode = #tpu.pipeline_mode<synchronous>, transform_indices = @transform_4, window_bounds = array<i64: 1, 16>}, {pipeline_mode = #tpu.pipeline_mode<synchronous>, transform_indices = @transform_5, window_bounds = array<i64: 1, 3>}]} {
    %eq3A = arith.constant 0 : i32
    %eq3A_0 = arith.cmpi eq, %arg0, %eq3A : i32
    %convert_element_type3A = arith.extui %eq3A_0 : i1 to i32
    %cond3A = arith.constant 0 : i32
    %cond3A_1 = arith.cmpi ne, %convert_element_type3A, %cond3A : i32
    scf.if %cond3A_1 {
      %broadcast_in_dim3A_20 = arith.constant 0.000000e+00 : f32
      %broadcast_in_dim3A_21 = vector.broadcast %broadcast_in_dim3A_20 : f32 to vector<1x16xf32>
      %swap3A_22 = arith.constant 0 : index
      %swap3A_23 = arith.constant 0 : index
      %swap3A_24 = vector.load %arg5[%swap3A_22, %swap3A_23] : memref<1x16xf32, #tpu.memory_space<vmem>>, vector<1x16xf32>
      tpu.vector_store %arg5[%swap3A_22, %swap3A_23], %broadcast_in_dim3A_21 {strides = array<i32>} : memref<1x16xf32, #tpu.memory_space<vmem>>, vector<1x16xf32>,
    } else {
    }
    %get3A = arith.constant 0 : index
    %get3A_2 = arith.constant 0 : index
    %get3A_3 = vector.load %arg1[%get3A, %get3A_2] : memref<2000x32xf32, #tpu.memory_space<vmem>>, vector<2000x32xf32>
    %slice3A = vector.extract_strided_slice %get3A_3 {offsets = [0, 0], sizes = [2000, 16], strides = [1, 1]} : vector<2000x32xf32> to vector<2000x16xf32>
    %slice3A_4 = vector.extract_strided_slice %get3A_3 {offsets = [0, 16], sizes = [2000, 1], strides = [1, 1]} : vector<2000x32xf32> to vector<2000x1xf32>
    %add3A = arith.constant 1.000000e-16 : f32
    %add3A_5 = vector.broadcast %add3A : f32 to vector<2000x1xf32>
    %add3A_6 = arith.addf %slice3A_4, %add3A_5 : vector<2000x1xf32>
    %div3A = vector.broadcast %add3A_6 : vector<2000x1xf32> to vector<2000x16xf32>
    %div3A_7 = arith.divf %slice3A, %div3A : vector<2000x16xf32>
    %get3A_8 = arith.constant 0 : index
    %get3A_9 = arith.constant 0 : index
    %get3A_10 = vector.load %arg5[%get3A_8, %get3A_9] : memref<1x16xf32, #tpu.memory_space<vmem>>, vector<1x16xf32>
    %reduce_sum3A = arith.constant dense<0.000000e+00> : vector<16xf32>
    %reduce_sum3A_11 = vector.multi_reduction <add>, %div3A_7, %reduce_sum3A [0] : vector<2000x16xf32> to vector<16xf32>
    %broadcast_in_dim3A = vector.shape_cast %reduce_sum3A_11 : vector<16xf32> to vector<1x16xf32>
    %add3A_12 = arith.addf %get3A_10, %broadcast_in_dim3A : vector<1x16xf32>
    %swap3A = arith.constant 0 : index
    %swap3A_13 = arith.constant 0 : index
    %swap3A_14 = vector.load %arg5[%swap3A, %swap3A_13] : memref<1x16xf32, #tpu.memory_space<vmem>>, vector<1x16xf32>
    tpu.vector_store %arg5[%swap3A, %swap3A_13], %add3A_12 {strides = array<i32>} : memref<1x16xf32, #tpu.memory_space<vmem>>, vector<1x16xf32>,
    %eq3A_15 = arith.constant 24 : i32
    %eq3A_16 = arith.cmpi eq, %arg0, %eq3A_15 : i32
    %convert_element_type3A_17 = arith.extui %eq3A_16 : i1 to i32
    %cond3A_18 = arith.constant 0 : i32
    %cond3A_19 = arith.cmpi ne, %convert_element_type3A_17, %cond3A_18 : i32
    scf.if %cond3A_19 {
      %get3A_20 = arith.constant 0 : index
      %get3A_21 = arith.constant 0 : index
      %get3A_22 = vector.load %arg5[%get3A_20, %get3A_21] : memref<1x16xf32, #tpu.memory_space<vmem>>, vector<1x16xf32>
      %div3A_23 = arith.constant 5.000000e+04 : f32
      %div3A_24 = vector.broadcast %div3A_23 : f32 to vector<1x16xf32>
      %div3A_25 = arith.divf %get3A_22, %div3A_24 : vector<1x16xf32>
      %get3A_26 = arith.constant 0 : index
      %get3A_27 = arith.constant 0 : index
      %get3A_28 = vector.load %arg2[%get3A_26, %get3A_27] : memref<1x16xf32, #tpu.memory_space<vmem>>, vector<1x16xf32>
      %add3A_29 = arith.addf %div3A_25, %get3A_28 : vector<1x16xf32>
      %get3A_30 = arith.constant 0 : index
      %get3A_31 = arith.constant 0 : index
      %get3A_32 = vector.load %arg3[%get3A_30, %get3A_31] : memref<16x3xf32, #tpu.memory_space<vmem>>, vector<16x3xf32>
      %dot_general3A = arith.constant dense<0.000000e+00> : vector<1x3xf32>
      %dot_general3A_33 = tpu.matmul %add3A_29, %get3A_32, %dot_general3A {dimension_numbers = #tpu.dot_dimension_numbers<[1], [0], [0], [1], [0, 0, 1, 1], [], []>, transpose_lhs_hint = false} : vector<1x16xf32>, vector<16x3xf32>, vector<1x3xf32> -> vector<1x3xf32>
      %get3A_34 = arith.constant 0 : index
      %get3A_35 = arith.constant 0 : index
      %get3A_36 = vector.load %arg4[%get3A_34, %get3A_35] : memref<1x3xf32, #tpu.memory_space<vmem>>, vector<1x3xf32>
      %add3A_37 = arith.addf %dot_general3A_33, %get3A_36 : vector<1x3xf32>
      %reduce_max3A = arith.constant dense<0xFF800000> : vector<1xf32>
      %reduce_max3A_38 = vector.multi_reduction <maximumf>, %add3A_37, %reduce_max3A [1] : vector<1x3xf32> to vector<1xf32>
      %broadcast_in_dim3A_39 = vector.shape_cast %reduce_max3A_38 : vector<1xf32> to vector<1x1xf32>
      %sub3A = vector.broadcast %broadcast_in_dim3A_39 : vector<1x1xf32> to vector<1x3xf32>
      %sub3A_40 = arith.subf %add3A_37, %sub3A : vector<1x3xf32>
      %exp3A = math.exp %sub3A_40 : vector<1x3xf32>
      %reduce_sum3A_41 = arith.constant dense<0.000000e+00> : vector<1xf32>
      %reduce_sum3A_42 = vector.multi_reduction <add>, %exp3A, %reduce_sum3A_41 [1] : vector<1x3xf32> to vector<1xf32>
      %broadcast_in_dim3A_43 = vector.shape_cast %reduce_sum3A_42 : vector<1xf32> to vector<1x1xf32>
      %div3A_44 = vector.broadcast %broadcast_in_dim3A_43 : vector<1x1xf32> to vector<1x3xf32>
      %div3A_45 = arith.divf %exp3A, %div3A_44 : vector<1x3xf32>
      %swap3A_46 = arith.constant 0 : index
      %swap3A_47 = arith.constant 0 : index
      %swap3A_48 = vector.load %arg6[%swap3A_46, %swap3A_47] : memref<1x3xf32, #tpu.memory_space<vmem>>, vector<1x3xf32>
      tpu.vector_store %arg6[%swap3A_46, %swap3A_47], %div3A_45 {strides = array<i32>} : memref<1x3xf32, #tpu.memory_space<vmem>>, vector<1x3xf32>,
    } else {
    }
    return
  }
  func.func @transform_0(%arg0: i32) -> (i32, i32) {
    %c0_i32 = arith.constant 0 : i32
    %c0_i32_0 = arith.constant 0 : i32
    return %arg0, %c0_i32 : i32, i32
  }
  func.func @transform_1(%arg0: i32) -> (i32, i32) {
    %c0_i32 = arith.constant 0 : i32
    %c0_i32_0 = arith.constant 0 : i32
    %c0_i32_1 = arith.constant 0 : i32
    return %c0_i32, %c0_i32_0 : i32, i32
  }
  func.func @transform_2(%arg0: i32) -> (i32, i32) {
    %c0_i32 = arith.constant 0 : i32
    %c0_i32_0 = arith.constant 0 : i32
    %c0_i32_1 = arith.constant 0 : i32
    return %c0_i32, %c0_i32_0 : i32, i32
  }
  func.func @transform_3(%arg0: i32) -> (i32, i32) {
    %c0_i32 = arith.constant 0 : i32
    %c0_i32_0 = arith.constant 0 : i32
    %c0_i32_1 = arith.constant 0 : i32
    return %c0_i32, %c0_i32_0 : i32, i32
  }
  func.func @transform_4(%arg0: i32) -> (i32, i32) {
    %c0_i32 = arith.constant 0 : i32
    %c0_i32_0 = arith.constant 0 : i32
    %c0_i32_1 = arith.constant 0 : i32
    return %c0_i32, %c0_i32_0 : i32, i32
  }
  func.func @transform_5(%arg0: i32) -> (i32, i32) {
    %c0_i32 = arith.constant 0 : i32
    %c0_i32_0 = arith.constant 0 : i32
    %c0_i32_1 = arith.constant 0 : i32
    return %c0_i32, %c0_i32_0 : i32, i32
  }
}

</mosaic_0001>

<sc_bundles>
// kernel: kernel.6.cloned.1.call-start
scs
__scs_entry_jumppad:
0x0: {  	(pc) =	sbr.rel $0x88, $3  }
0x1: {  	(tag) =	ssettag $0x0;
	lr =	simm.s32 $0x1  }
0x2: {  	[smem:$0x3F95] =	sst lr;
	_ =	strace $0xD0000000  }
0x3: {  	_ = 	snop  }
0x4: {  	_ = 	snop  }
0x5: {  	_ = 	snop  }
0x6: {  	_ = 	snop  }
0x7: {  	_ = 	snop  }
__scs_overlays_trampoline_lowered:
0x8: {  	[smem:$0x3FA4] =	sst s0  }
0x9: {  	[smem:$0x3FA5] =	sst s1  }
0xa: {  	[smem:$0x3FA6] =	sst s2  }
0xb: {  	[smem:$0x3FA7] =	sst s3  }
0xc: {  	[smem:$0x3FA8] =	sst s4  }
0xd: {  	[smem:$0x3FA9] =	sst s5  }
0xe: {  	[smem:$0x3FAA] =	sst s6  }
0xf: {  	[smem:$0x3FAB] =	sst s7  }
0x10: {  	[smem:$0x3FAC] =	sst s8  }
0x11: {  	[smem:$0x3FAD] =	sst s9;
	s0 =	simm.s32 @!p0 $0x0  }
0x12: {  	s1 =	sld [smem:$0x3F93];
	s0 =	simm.s32 @p0 $0x1  }
0x13: {  	[smem:$0x3FAE] =	sst s0;
	s0 =	simm.s32 @!p1 $0x0  }
0x14: {  	s2 =	sld [smem:$0x3F92];
	s0 =	simm.s32 @p1 $0x1  }
0x15: {  	[smem:$0x3FAF] =	sst s0;
	s0 =	simm.s32 @!p2 $0x0  }
0x16: {  	s3 =	sld [smem:$0x3FDB];
	s0 =	simm.s32 @p2 $0x1  }
0x17: {  	s4 =	simm.s32 $0x1BF5;
	[smem:$0x3FB1] =	sst s0  }
0x18: {  	s0 =	sld [smem:$0x3F94];
	_ =	swait.ge [sflag:s4], $0x0  }
0x19: {  	s7 =	sld [smem:$0x3F95]  }
0x1a: {  	s8 =	sadd.s32 $0xFFFFE003, lr  }
0x1b: {  	s9 =	sadd.s32 $0xFFFFFEF7, lr;
	s5 =	simm.s32 $0xFFFFFFFF;
	p2 =	slt.u32 s8, $0xFFFFF086  }
0x1c: {  	p1 =	slt.u32 s9, $0xF7A;
	s5 =	simm.s32 @!p2 $0x0  }
0x1d: {  	s5 =	simm.s32 @p1 $0x1;
	p0 =	seq.s32 s7, s2  }
0x1e: {  	s7 =	smul.u32 @!p0 $0xF7A, s2;
	p2 =	seq.s32 @!p0 s5, $0x0  }
0x1f: {  	s9 =	smul.u32 $0xF7A, s1;
	s8 =	simm.s32 @!p0 $0x1BF5;
	p2 =	por !p2, p0  }
0x20: {  	[sflag:s8] =	ssyncset.s32 @!p0 $0xFFFFF086;
	s6 =	sadd.s32 @!p0 s3, s7;
	s7 =	simm.s32 @!p0 $0x108  }
0x21: {  	s3 =	sadd.s32 s3, s9;
	s6 =	sadd.s32 @!p0 $0x88, s6;
	s7 =	simm.s32 @p2 $0x1082  }
0x22: {  	[simem:s7], [sflag:s8] =	dma.local @!p0 [hbm:s6], $0xF7A  }
0x23: {  	s9 =	sor.u32 $0xD0000000, s2;
	s6 =	simm.s32 $0x108;
	_ =	swait.ge @!p0 [sflag:s8], $0x0  }
0x24: {  	s3 =	sadd.s32 $0x88, s3;
	s6 =	simm.s32 @!p1 $0x1082;
	[sflag:s4] =	ssyncset.s32 $0xFFFFF086  }
0x25: {  	[simem:s6], [sflag:s4] =	dma.local [hbm:s3], $0xF7A  }
0x26: {  	[smem:$0x3F95] =	sst s1;
	(tag) =	ssettag s2;
	_ =	strace s9  }
0x27: {  	s1 =	sld [smem:$0x3FA5]  }
0x28: {  	s2 =	sld [smem:$0x3FA6]  }
0x29: {  	s4 =	sld [smem:$0x3FA8]  }
0x2a: {  	p0 =	seq.s32 s5, $0x0;
	s5 =	sld [smem:$0x3FA9]  }
0x2b: {  	s6 =	sld [smem:$0x3FAA]  }
0x2c: {  	s7 =	sld [smem:$0x3FAB]  }
0x2d: {  	s3 =	simm.s32 $0x108;
	s8 =	sld [smem:$0x3FAC]  }
0x2e: {  	s3 =	simm.s32 @!p0 $0x1082;
	s9 =	sld [smem:$0x3FAD]  }
0x2f: {  	lr =	sadd.s32 s0, s3;
	s0 =	sld [smem:$0x3FA4]  }
0x30: {  	s3 =	sld [smem:$0x3FA7]  }
0x31: {  	[smem:$0x3FB0] =	sst s10  }
0x32: {  	s10 =	sld [smem:$0x3FAE];
	_ =	sdelay $0x3  }
0x33: {  	p0 =	seq.s32 s10, $0x1;
	s10 =	sld [smem:$0x3FB0];
	_ =	sdelay $0x3  }
0x34: {  	[smem:$0x3FB0] =	sst s10  }
0x35: {  	s10 =	sld [smem:$0x3FAF];
	_ =	sdelay $0x3  }
0x36: {  	p1 =	seq.s32 s10, $0x1;
	s10 =	sld [smem:$0x3FB0];
	_ =	sdelay $0x3  }
0x37: {  	[smem:$0x3FB0] =	sst s10  }
0x38: {  	s10 =	sld [smem:$0x3FB1]  }
0x39: {  	_ = 	snop;
	(pc) =	sbr.ind lr, $3  }
0x3a: {  	_ = 	snop  }
0x3b: {  	_ = 	snop  }
0x3c: {  	p2 =	seq.s32 s10, $0x1;
	s10 =	sld [smem:$0x3FB0]  }
0x3d: {  	_ =	shalt  }
0x3e: {  	_ =	shalt  }
0x3f: {  	_ =	shalt  }
0x40: {  	_ =	shalt  }
0x41: {  	_ =	shalt  }
0x42: {  	_ =	shalt  }
0x43: {  	_ =	shalt  }
0x44: {  	_ =	shalt  }
0x45: {  	_ =	shalt  }
0x46: {  	_ =	shalt  }
0x47: {  	_ =	shalt  }
0x48: {  	_ =	shalt  }
0x49: {  	_ =	shalt  }
0x4a: {  	_ =	shalt  }
0x4b: {  	_ =	shalt  }
0x4c: {  	_ =	shalt  }
0x4d: {  	_ =	shalt  }
0x4e: {  	_ =	shalt  }
0x4f: {  	_ =	shalt  }
0x50: {  	_ =	shalt  }
0x51: {  	_ =	shalt  }
0x52: {  	_ =	shalt  }
0x53: {  	_ =	shalt  }
0x54: {  	_ =	shalt  }
0x55: {  	_ =	shalt  }
0x56: {  	_ =	shalt  }
0x57: {  	_ =	shalt  }
0x58: {  	_ =	shalt  }
0x59: {  	_ =	shalt  }
0x5a: {  	_ =	shalt  }
0x5b: {  	_ =	shalt  }
0x5c: {  	_ =	shalt  }
0x5d: {  	_ =	shalt  }
0x5e: {  	_ =	shalt  }
0x5f: {  	_ =	shalt  }
0x60: {  	_ =	shalt  }
0x61: {  	_ =	shalt  }
0x62: {  	_ =	shalt  }
0x63: {  	_ =	shalt  }
0x64: {  	_ =	shalt  }
0x65: {  	_ =	shalt  }
0x66: {  	_ =	shalt  }
0x67: {  	_ =	shalt  }
0x68: {  	_ =	shalt  }
0x69: {  	_ =	shalt  }
0x6a: {  	_ =	shalt  }
0x6b: {  	_ =	shalt  }
0x6c: {  	_ =	shalt  }
0x6d: {  	_ =	shalt  }
0x6e: {  	_ =	shalt  }
0x6f: {  	_ =	shalt  }
0x70: {  	_ =	shalt  }
0x71: {  	_ =	shalt  }
0x72: {  	_ =	shalt  }
0x73: {  	_ =	shalt  }
0x74: {  	_ =	shalt  }
0x75: {  	_ =	shalt  }
0x76: {  	_ =	shalt  }
0x77: {  	_ =	shalt  }
0x78: {  	_ =	shalt  }
0x79: {  	_ =	shalt  }
0x7a: {  	_ =	shalt  }
0x7b: {  	_ =	shalt  }
0x7c: {  	_ =	shalt  }
0x7d: {  	_ =	shalt  }
0x7e: {  	_ =	shalt  }
0x7f: {  	_ =	shalt  }
0x80: {  	_ =	shalt  }
0x81: {  	_ =	shalt  }
0x82: {  	_ =	shalt  }
0x83: {  	_ =	shalt  }
0x84: {  	_ =	shalt  }
0x85: {  	_ =	shalt  }
0x86: {  	_ =	shalt  }
0x87: {  	_ =	shalt  }
.Lfunc_end0:
.L_simem_size_0:
called_computation_lowered:
.L_overlay_start_0:
0x88: {  	s2 =	sld [smem:$0x3FD9]  }
0x89: {  	s3 =	sld [smem:$0x3FFE];
	_ =	sdelay $0x1  }
0x8a: {  	s1 =	srdreg.scid  }
0x8b: {  	s0 =	sand.u32 $0x1, s1  }
0x8c: {  	s16 =	sshll.u32 s0, $0xA;
	s2 =	sadd.s32 s3, s2  }
0x8d: {  	s2 =	sadd.s32 s2, s16  }
0x8e: {  	[smem:$0x3FBC] =	sst s2  }
0x8f: {  	_ = 	snop  }
0x90: {  	(tm) =	ssettm $0x1  }
0x91: {  	s17 =	sld [smem:$0x3FFB];
	_ =	sdelay $0x3  }
0x92: {  	_ =	strace s17  }
0x93: {  	s2 =	sld [smem:$0x3FFC];
	_ =	sdelay $0x3  }
0x94: {  	_ =	strace s2  }
0x95: {  	s2 =	sld [smem:$0x3FFD];
	_ =	sdelay $0x3  }
0x96: {  	_ =	strace s2  }
0x97: {  	_ =	strace $0x8FFFFFFF  }
0x98: {  	s18 =	sld [smem:$0x3FDB];
	_ =	sdelay $0x1  }
0x99: {  	s19 =	simm.s32 $_scs_section_size  }
0x9a: {  	s4 =	simm.s32 $_size__tile_overlayer_lowered;
	s5 =	simm.s32 $_tile_overlayer_lowered  }
0x9b: {  	s22 =	simm.s32 $0x1BFF;
	s21 =	sshll.u32 s5, $0x1;
	s2 =	sadd.s32 s19, s18  }
0x9c: {  	s6 =	simm.s32 $0x0;
	s20 =	sshll.u32 s4, $0x1;
	s4 =	sadd.s32 s21, s2  }
0x9d: {  	[timem:s6], [sflag:s22] =	dma.local [hbm:s4], s20  }
0x9e: {  	_ =	swait.ge [sflag:s22], s20  }
0x9f: {  	s3 =	ssub.s32 $0x0, s20;
	[sflag:s22] =	ssyncset.done $0x0  }
0xa0: {  	[sflag:s22] =	ssyncadd.s32 s3;
	_ =	sdelay $0x1  }
0xa1: {  	s23 =	simm.s32 $0x1B8B  }
0xa2: {  	_ =	swait.ge [sflag:s23], $0x1  }
0xa3: {  	[sflag:s23] =	ssyncset.done $0x0  }
0xa4: {  	s25 =	simm.s32 $0x1B8E;
	s24 =	sld [smem:$0x3FFE];
	[sflag:s23] =	ssyncadd.s32 $0xFFFFFFFF  }
0xa5: {  	s26 =	simm.s32 $execute0_lowered;
	[smem:$0x3FD2] =	sst s25  }
0xa6: {  	s4 =	sshll.u32 s26, $0x1;
	_ =	strace $0x80000046;
	[dreg:$0x1] =	wrdreg $0xFFFFFFFF  }
0xa7: {  	s28 =	simm.s32 $_size_execute0_lowered;
	s2 =	sadd.s32 s2, s4;
	[dreg:$0x0] =	wrdreg $0x0  }
0xa8: {  	s4 =	sshll.u32 s28, $0x1;
	[dreg:$0x2] =	wrdreg s2  }
0xa9: {  	[dreg:$0x3] =	wrdreg s4  }
0xaa: {  	[dreg:$0x4] =	wrdreg $0xC0  }
0xab: {  	_ =	task [dreg:s6], $0x5FFFF  }
0xac: {  	[dreg:$0x1] =	wrdreg $0xFFFFFFFF  }
0xad: {  	[dreg:$0x0] =	wrdreg $0x60  }
0xae: {  	[dreg:$0x2] =	wrdreg s24  }
0xaf: {  	[dreg:$0x3] =	wrdreg $0x84000  }
0xb0: {  	[dreg:$0x4] =	wrdreg $0x9  }
0xb1: {  	_ =	task.clear_ibuf [dreg:s6], $0x5FFFF;
	_ =	strace $0x90000046  }
0xb2: {  	s29 =	simm.s32 $0x9;
	_ =	strace $0x80000048  }
0xb3: {  	_ =	swait.ge [sflag:s29], $0x1  }
0xb4: {  	[sflag:s29] =	ssyncadd.s32 $0xFFFFFFFF  }
0xb5: {  	_ =	strace $0x90000048  }
0xb6: {  	_ =	sfence  }
0xb7: {  	s30 =	sld [smem:$0x0];
	_ =	sdelay $0x2  }
0xb8: {  	s31 =	sshll.u32 s1, $0xD;
	s1 =	sshrl.u32 s1, $0x2  }
0xb9: {  	s3 =	sand.u32 $0x4000, s31;
	s1 =	sadd.s32 s1, s30  }
0xba: {  	s0 =	sor.u32 s3, s0;
	s1 =	sshll.u32 s1, $0x11  }
0xbb: {  	s0 =	sor.u32 s1, s0  }
0xbc: {  	s0 =	sadd.s32 $0x8F2B, s0  }
0xbd: {  	[sflag:s0] =	ssyncadd.remote.s32 $0x1  }
0xbe: {  	_ =	sfence.sel $0xFFFF  }
0xbf: {  	[dreg:$0x0] =	wrdreg $0xFFFFFFFF;
	(pc) =	sbr.abs _section_cstart, $3  }
0xc0: {  	[dreg:$0x1] =	wrdreg $0xFFFFFFFF  }
0xc1: {  	_ =	task.clear_ibuf [dreg:s6], $0x2FFFF;
	_ =	strace $0x9FFFFFFF  }
0xc2: {  	(tm) =	ssettm $0x7FFFFFFF  }
0xc3: {  	_ =	shalt  }
tec
execute0_lowered:
.L_overlay_start_1:
0x0: {  	(tag) =	ssettag $0x1  }
0x1: {  	s0 =	rddreg [dreg:$0x0]  }
0x2: {  	s1 =	rddreg [dreg:$0x1];
	s20 =	simm.s32 $0x0;
	s16 =	stileid.u32  }
0x3: {  	s2 =	srdreg.scid;
	s17 =	simm.s32 $0x4;
	s18 =	simm.s32 $0x200  }
0x4: {  	s19 =	simm.s32 $0x80;
	s26 =	simm.s32 $0x100;
	s30 =	simm.s32 $0x3400  }
0x5: {  	s31 =	simm.s32 $0x6400;
	[smem:$0x7FF] =	sst s20;
	s4 =	sadd.s32 $0x35800, s0  }
0x6: {  	s5 =	sadd.s32 $0x1B800, s0;
	s6 =	sadd.s32 $0x3000, s0;
	s3 =	smul.u32 $0xC400, s16  }
0x7: {  	s2 =	sand.u32 $0x1, s2;
	s7 =	sadd.s32 $0x1BAA00, s0;
	s8 =	sadd.s32 $0x189C00, s0  }
0x8: {  	s23 =	sshll.u32 s16, $0x6;
	s25 =	sadd.s32 $0x61A8, s16;
	s13 =	ssub.s32 $0xC44, s16  }
0x9: {  	s14 =	sshll.u32 s16, $0x5;
	s28 =	sshll.u32 s16, $0x8;
	s9 =	smul.u32 $0x186A0, s2  }
0xa: {  	_ =	strace $0x80000047;
	s10 =	ssub.s32 $0x2, s2;
	s22 =	smul.u32 $0x61A8, s2  }
0xb: {  	s2 =	smul.u32 $0xD000, s16;
	s13 =	sshrl.u32 s13, $0x4;
	s16 =	simm.s32 $0x7400  }
0xc: {  	s11 =	sshrl.u32 s3, $0x3;
	s12 =	sshrl.u32 s10, $0x1;
	s3 =	sadd.s32 s3, s1  }
0xd: {  	[dreg:$0x5] =	wrdreg s13;
	s13 =	simm.s32 $0x3C00;
	s11 =	sadd.s32 s11, s0  }
0xe: {  	s0 =	sadd.s32 s9, s0;
	s21 =	ssub.s32 s10, s12;
	s10 =	sor.u32 $0x1C04, s23  }
0xf: {  	s15 =	sadd.s32 $0x61A8, s22;
	s29 =	sshrl.u32 s3, $0x3;
	s3 =	simm.s32 $0x1C00  }
0x10: {  	s12 =	simm.s32 $0x1;
	s24 =	sadd.s32 $0x4F800, s11;
	[dreg:$0x9] =	wrdreg s29  }
0x11: {  	s0 =	sadd.s32 s14, s0;
	s9 =	smax.u32 s21, $0x1;
	[dreg:$0x4] =	wrdreg s24  }
0x12: {  	v1 =	vmov s15;
	s15 =	simm.s32 $0x2;
	[dreg:$0x6] =	wrdreg s9;
	s0 =	sadd.s32 $0x68000, s0  }
0x13: {  	vm0 =	vmxor vm0, vm0;
	vm1 =	vmmov $0x1;
	s14 =	simm.s32 $0x3;
	[dreg:$0x7] =	wrdreg s0;
	s0 =	sadd.s32 s28, s1  }
0x14: {  	vm2 =	vmmov $0xffff;
	v2 =	vmov s25;
	v0 =	vmov s22;
	s9 =	simm.s32 $0x380;
	[dreg:$0x8] =	wrdreg s0;
	s0 =	simm.s32 $0x180  }
.LBB2_1:
0x15: {  	[dreg:$0x3] =	wrdreg s20  }
0x16: {  	s11 =	rddreg [dreg:$0x4]  }
0x17: {  	s29 =	rddreg [dreg:$0x9]  }
0x18: {  	[spmem:s29], [sflag:s10] =	dma.local [hbm:s11], $0x1880  }
0x19: {  	_ =	swait.ge [sflag:s17], $0x1880  }
0x1a: {  	[sflag:s17] =	ssyncset.done $0x0  }
0x1b: {  	[sflag:s17] =	ssyncadd.s32 $0xFFFFE780  }
0x1c: {  	s20 =	simm.s32 $0x0;
	s11 =	smov.u32 s2;
	[bflag:$0x0] =	sbarrier.arrive $0xFFFF  }
.LBB2_2:
0x1d: {  	s21 =	sshll.u32 s20, $0x9  }
0x1e: {  	s21 =	sadd.s32 s2, s21  }
0x1f: {  	s22 =	sshrl.u32 s21, $0x3  }
0x20: {  	s21 =	simm.s32 $0x0;
	s23 =	sadd.s32 s4, s22  }
0x21: {  	[tilespmem:s21], [sflag:$0x4] =	stream.linear.gather [hbm4b:s23+s21], $0x200, $0x38;
	[tilespmem:$0x14800] =	vst v63  }
0x22: {  	_ =	swait.ge [sflag:s17], $0x200  }
0x23: {  	[sflag:s17] =	ssyncset.done $0x0  }
0x24: {  	s22 =	sadd.s32 s5, s22;
	[sflag:s17] =	ssyncadd.s32 $0xFFFFFE00  }
0x25: {  	[tilespmem:s18], [sflag:$0x4] =	stream.linear.gather [hbm4b:s22+s21], $0x200, $0x38;
	[tilespmem:$0x14800] =	vst v63  }
0x26: {  	_ =	swait.ge [sflag:s17], $0x200  }
0x27: {  	[sflag:s17] =	ssyncset.done $0x0  }
0x28: {  	s24 =	simm.s32 $0x400;
	[sflag:s17] =	ssyncadd.s32 $0xFFFFFE00  }
0x29: {  	[tilespmem:s24], [sflag:$0x1] =	stream.indirect.gather [hbm4b:s6+s19], $0x10, s21, s19, $0xb8;
	[tilespmem:$0x14800] =	vst v63  }
0x2a: {  	s25 =	simm.s32 $0x2400  }
0x2b: {  	[tilespmem:s25], [sflag:$0x2] =	stream.indirect.gather [hbm4b:s7+s19], $0x10, s18, s19, $0xb8;
	[tilespmem:$0x14800] =	vst v63  }
0x2c: {  	s22 =	simm.s32 $0x4400  }
0x2d: {  	[tilespmem:s22], [sflag:$0x3] =	stream.indirect.gather [hbm4b:s8+s19], $0x20, s21, s19, $0xb8;
	[tilespmem:$0x14800] =	vst v63  }
0x2e: {  	s28 =	simm.s32 $0xC00  }
0x2f: {  	[tilespmem:s28], [sflag:$0x1] =	stream.indirect.gather [hbm4b:s6+s19], $0x10, s19, s19, $0xb8;
	[tilespmem:$0x14800] =	vst v63  }
0x30: {  	s29 =	simm.s32 $0x280;
	s24 =	simm.s32 $0x2C00  }
0x31: {  	[tilespmem:s24], [sflag:$0x2] =	stream.indirect.gather [hbm4b:s7+s19], $0x10, s29, s19, $0xb8;
	[tilespmem:$0x14800] =	vst v63  }
0x32: {  	s25 =	simm.s32 $0x5400  }
0x33: {  	[tilespmem:s25], [sflag:$0x3] =	stream.indirect.gather [hbm4b:s8+s19], $0x20, s19, s19, $0xb8;
	[tilespmem:$0x14800] =	vst v63  }
0x34: {  	s28 =	simm.s32 $0x1400  }
0x35: {  	[tilespmem:s28], [sflag:$0x1] =	stream.indirect.gather [hbm4b:s6+s19], $0x10, s26, s19, $0xb8;
	[tilespmem:$0x14800] =	vst v63  }
0x36: {  	s29 =	simm.s32 $0x300  }
0x37: {  	[tilespmem:s30], [sflag:$0x2] =	stream.indirect.gather [hbm4b:s7+s19], $0x10, s29, s19, $0xb8;
	[tilespmem:$0x14800] =	vst v63  }
0x38: {  	_ = 	snop  }
0x39: {  	[tilespmem:s31], [sflag:$0x3] =	stream.indirect.gather [hbm4b:s8+s19], $0x20, s26, s19, $0xb8;
	[tilespmem:$0x14800] =	vst v63  }
0x3a: {  	_ = 	snop  }
0x3b: {  	[tilespmem:s3], [sflag:$0x1] =	stream.indirect.gather [hbm4b:s6+s19], $0x10, s0, s19, $0xb8;
	[tilespmem:$0x14800] =	vst v63  }
0x3c: {  	_ = 	snop  }
0x3d: {  	[tilespmem:s13], [sflag:$0x2] =	stream.indirect.gather [hbm4b:s7+s19], $0x10, s9, s19, $0xb8;
	[tilespmem:$0x14800] =	vst v63  }
0x3e: {  	_ = 	snop  }
0x3f: {  	[tilespmem:s16], [sflag:$0x3] =	stream.indirect.gather [hbm4b:s8+s19], $0x20, s0, s19, $0xb8;
	[tilespmem:$0x14800] =	vst v63  }
0x40: {  	_ =	swait.ge [sflag:s12], $0x800  }
0x41: {  	[sflag:s12] =	ssyncset.done $0x0  }
0x42: {  	[sflag:s12] =	ssyncadd.s32 $0xFFFFF800  }
0x43: {  	_ =	swait.ge [sflag:s15], $0x800  }
0x44: {  	[sflag:s15] =	ssyncset.done $0x0  }
0x45: {  	[sflag:s15] =	ssyncadd.s32 $0xFFFFF800  }
0x46: {  	_ =	swait.ge [sflag:s14], $0x1000  }
0x47: {  	[sflag:s14] =	ssyncset.done $0x0  }
0x48: {  	[sflag:s14] =	ssyncadd.s32 $0xFFFFF000  }
0x49: {  	_ =	swait.ge [sflag:s12], $0x800  }
0x4a: {  	[sflag:s12] =	ssyncset.done $0x0  }
0x4b: {  	[sflag:s12] =	ssyncadd.s32 $0xFFFFF800  }
0x4c: {  	_ =	swait.ge [sflag:s15], $0x800  }
0x4d: {  	[sflag:s15] =	ssyncset.done $0x0  }
0x4e: {  	[sflag:s15] =	ssyncadd.s32 $0xFFFFF800  }
0x4f: {  	_ =	swait.ge [sflag:s14], $0x1000  }
0x50: {  	[sflag:s14] =	ssyncset.done $0x0  }
0x51: {  	[sflag:s14] =	ssyncadd.s32 $0xFFFFF000  }
0x52: {  	_ =	swait.ge [sflag:s12], $0x800  }
0x53: {  	[sflag:s12] =	ssyncset.done $0x0  }
0x54: {  	[sflag:s12] =	ssyncadd.s32 $0xFFFFF800  }
0x55: {  	_ =	swait.ge [sflag:s15], $0x800  }
0x56: {  	[sflag:s15] =	ssyncset.done $0x0  }
0x57: {  	[sflag:s15] =	ssyncadd.s32 $0xFFFFF800  }
0x58: {  	_ =	swait.ge [sflag:s14], $0x1000  }
0x59: {  	[sflag:s14] =	ssyncset.done $0x0  }
0x5a: {  	[sflag:s14] =	ssyncadd.s32 $0xFFFFF000  }
0x5b: {  	_ =	swait.ge [sflag:s12], $0x800  }
0x5c: {  	[sflag:s12] =	ssyncset.done $0x0  }
0x5d: {  	[sflag:s12] =	ssyncadd.s32 $0xFFFFF800  }
0x5e: {  	_ =	swait.ge [sflag:s15], $0x800  }
0x5f: {  	[sflag:s15] =	ssyncset.done $0x0  }
0x60: {  	[sflag:s15] =	ssyncadd.s32 $0xFFFFF800  }
0x61: {  	_ =	swait.ge [sflag:s14], $0x1000  }
0x62: {  	s23 =	simm.s32 $0x2480;
	[sflag:s14] =	ssyncset.done $0x0  }
0x63: {  	s24 =	simm.s32 $0x480;
	s25 =	simm.s32 $0x0;
	[sflag:s14] =	ssyncadd.s32 $0xFFFFF000  }
.LBB2_3:
0x64: {  	v3 =	vld [tilespmem:s24+$0xFFFFFF80]  }
0x65: {  	v4 =	vld [tilespmem:s23+$0xFFFFFF80];
	_ =	sdelay $0x4  }
0x66: {  	v3 =	vadd.f32 v4, v3;
	_ =	sdelay $0x1  }
0x67: {  	v4 =	vmul.f32 $2.000000030e-01, v3  }
0x68: {  	vm3 =	vge.f32 v3, $0.0e+00  }
0x69: {  	v3 =	vsel vm3, v3, v4  }
0x6a: {  	v3 =	vmul.f32 $1.442695020e+00, v3;
	_ =	sdelay $0x1  }
0x6b: {  	(erf) = vpow2.f32 v3;
	_ =	sdelay $0x6  }
0x6c: {  	v18 =	vld [tilespmem:s22+$0x0];
	_ =	sdelay $0x1  }
0x6d: {  	v17 =	vpop (erf)  }
0x6e: {  	s28 =	sand.u32 $0x600, s25;
	v4 =	vbroadcast v17, $0x0  }
0x6f: {  	s29 =	sand.u32 $0x70, s21;
	s28 =	sshrl.u32 s28, $0x2  }
0x70: {  	s28 =	sor.u32 s29, s28;
	v5 =	vnsel vm1, $0x0, v17;
	v4 =	vmul.f32 v4, v18  }
0x71: {  	v3 =	vld [tilespmem:s28+$0x200];
	[tilespmem:s22+$0x10] =	vst v5  }
0x72: {  	[tilespmem:s22+$0x0] =	vst v4  }
0x73: {  	v4 =	vld [tilespmem:s24+$0xFFFFFF90]  }
0x74: {  	v19 =	vld [tilespmem:s23+$0xFFFFFF90];
	_ =	sdelay $0x4  }
0x75: {  	v4 =	vadd.f32 v19, v4;
	_ =	sdelay $0x1  }
0x76: {  	v5 =	vmul.f32 $2.000000030e-01, v4  }
0x77: {  	vm3 =	vge.f32 v4, $0.0e+00  }
0x78: {  	v4 =	vsel vm3, v4, v5  }
0x79: {  	v4 =	vmul.f32 $1.442695020e+00, v4;
	_ =	sdelay $0x1  }
0x7a: {  	(erf) = vpow2.f32 v4;
	_ =	sdelay $0x6  }
0x7b: {  	v21 =	vld [tilespmem:s22+$0x20];
	_ =	sdelay $0x1  }
0x7c: {  	v4 =	vpop (erf)  }
0x7d: {  	v20 =	vnsel vm1, $0x0, v4;
	v4 =	vbroadcast v4, $0x0;
	_ =	sdelay $0x1  }
0x7e: {  	v4 =	vmul.f32 v4, v21  }
0x7f: {  	[tilespmem:s22+$0x30] =	vst v20  }
0x80: {  	[tilespmem:s22+$0x20] =	vst v4  }
0x81: {  	v4 =	vld [tilespmem:s24+$0xFFFFFFA0]  }
0x82: {  	v22 =	vld [tilespmem:s23+$0xFFFFFFA0];
	_ =	sdelay $0x4  }
0x83: {  	v4 =	vadd.f32 v22, v4;
	_ =	sdelay $0x1  }
0x84: {  	v5 =	vmul.f32 $2.000000030e-01, v4  }
0x85: {  	vm3 =	vge.f32 v4, $0.0e+00  }
0x86: {  	v4 =	vsel vm3, v4, v5  }
0x87: {  	v4 =	vmul.f32 $1.442695020e+00, v4;
	_ =	sdelay $0x1  }
0x88: {  	(erf) = vpow2.f32 v4;
	_ =	sdelay $0x6  }
0x89: {  	v24 =	vld [tilespmem:s22+$0x40];
	_ =	sdelay $0x1  }
0x8a: {  	v4 =	vpop (erf)  }
0x8b: {  	v23 =	vnsel vm1, $0x0, v4;
	v4 =	vbroadcast v4, $0x0;
	_ =	sdelay $0x1  }
0x8c: {  	v4 =	vmul.f32 v4, v24  }
0x8d: {  	[tilespmem:s22+$0x50] =	vst v23  }
0x8e: {  	[tilespmem:s22+$0x40] =	vst v4  }
0x8f: {  	v4 =	vld [tilespmem:s24+$0xFFFFFFB0]  }
0x90: {  	v25 =	vld [tilespmem:s23+$0xFFFFFFB0];
	_ =	sdelay $0x4  }
0x91: {  	v4 =	vadd.f32 v25, v4;
	_ =	sdelay $0x1  }
0x92: {  	v5 =	vmul.f32 $2.000000030e-01, v4  }
0x93: {  	vm3 =	vge.f32 v4, $0.0e+00  }
0x94: {  	v4 =	vsel vm3, v4, v5  }
0x95: {  	v4 =	vmul.f32 $1.442695020e+00, v4;
	_ =	sdelay $0x1  }
0x96: {  	(erf) = vpow2.f32 v4;
	_ =	sdelay $0x6  }
0x97: {  	v27 =	vld [tilespmem:s22+$0x60];
	_ =	sdelay $0x1  }
0x98: {  	v4 =	vpop (erf)  }
0x99: {  	v26 =	vnsel vm1, $0x0, v4;
	v4 =	vbroadcast v4, $0x0;
	_ =	sdelay $0x1  }
0x9a: {  	v4 =	vmul.f32 v4, v27  }
0x9b: {  	[tilespmem:s22+$0x70] =	vst v26  }
0x9c: {  	[tilespmem:s22+$0x60] =	vst v4  }
0x9d: {  	v4 =	vld [tilespmem:s24+$0xFFFFFFC0]  }
0x9e: {  	v28 =	vld [tilespmem:s23+$0xFFFFFFC0];
	_ =	sdelay $0x4  }
0x9f: {  	v4 =	vadd.f32 v28, v4;
	_ =	sdelay $0x1  }
0xa0: {  	v5 =	vmul.f32 $2.000000030e-01, v4  }
0xa1: {  	vm3 =	vge.f32 v4, $0.0e+00  }
0xa2: {  	v4 =	vsel vm3, v4, v5  }
0xa3: {  	v4 =	vmul.f32 $1.442695020e+00, v4;
	_ =	sdelay $0x1  }
0xa4: {  	(erf) = vpow2.f32 v4;
	_ =	sdelay $0x6  }
0xa5: {  	v30 =	vld [tilespmem:s22+$0x80];
	_ =	sdelay $0x1  }
0xa6: {  	v4 =	vpop (erf)  }
0xa7: {  	v29 =	vnsel vm1, $0x0, v4;
	v4 =	vbroadcast v4, $0x0;
	_ =	sdelay $0x1  }
0xa8: {  	v4 =	vmul.f32 v4, v30  }
0xa9: {  	[tilespmem:s22+$0x90] =	vst v29  }
0xaa: {  	[tilespmem:s22+$0x80] =	vst v4  }
0xab: {  	v4 =	vld [tilespmem:s24+$0xFFFFFFD0]  }
0xac: {  	v31 =	vld [tilespmem:s23+$0xFFFFFFD0];
	_ =	sdelay $0x4  }
0xad: {  	v4 =	vadd.f32 v31, v4;
	_ =	sdelay $0x1  }
0xae: {  	v5 =	vmul.f32 $2.000000030e-01, v4  }
0xaf: {  	vm3 =	vge.f32 v4, $0.0e+00  }
0xb0: {  	v4 =	vsel vm3, v4, v5  }
0xb1: {  	v4 =	vmul.f32 $1.442695020e+00, v4;
	_ =	sdelay $0x1  }
0xb2: {  	(erf) = vpow2.f32 v4;
	_ =	sdelay $0x6  }
0xb3: {  	v33 =	vld [tilespmem:s22+$0xA0];
	_ =	sdelay $0x1  }
0xb4: {  	v4 =	vpop (erf)  }
0xb5: {  	v32 =	vnsel vm1, $0x0, v4;
	v4 =	vbroadcast v4, $0x0;
	_ =	sdelay $0x1  }
0xb6: {  	v4 =	vmul.f32 v4, v33  }
0xb7: {  	[tilespmem:s22+$0xB0] =	vst v32  }
0xb8: {  	[tilespmem:s22+$0xA0] =	vst v4  }
0xb9: {  	v4 =	vld [tilespmem:s24+$0xFFFFFFE0]  }
0xba: {  	v34 =	vld [tilespmem:s23+$0xFFFFFFE0];
	_ =	sdelay $0x4  }
0xbb: {  	v4 =	vadd.f32 v34, v4;
	_ =	sdelay $0x1  }
0xbc: {  	v5 =	vmul.f32 $2.000000030e-01, v4  }
0xbd: {  	vm3 =	vge.f32 v4, $0.0e+00  }
0xbe: {  	v4 =	vsel vm3, v4, v5  }
0xbf: {  	v4 =	vmul.f32 $1.442695020e+00, v4;
	_ =	sdelay $0x1  }
0xc0: {  	(erf) = vpow2.f32 v4;
	_ =	sdelay $0x6  }
0xc1: {  	v36 =	vld [tilespmem:s22+$0xC0];
	_ =	sdelay $0x1  }
0xc2: {  	v4 =	vpop (erf)  }
0xc3: {  	v35 =	vnsel vm1, $0x0, v4;
	v4 =	vbroadcast v4, $0x0;
	_ =	sdelay $0x1  }
0xc4: {  	v4 =	vmul.f32 v4, v36  }
0xc5: {  	[tilespmem:s22+$0xD0] =	vst v35  }
0xc6: {  	[tilespmem:s22+$0xC0] =	vst v4  }
0xc7: {  	v4 =	vld [tilespmem:s24+$0xFFFFFFF0]  }
0xc8: {  	v37 =	vld [tilespmem:s23+$0xFFFFFFF0];
	_ =	sdelay $0x4  }
0xc9: {  	v4 =	vadd.f32 v37, v4;
	_ =	sdelay $0x1  }
0xca: {  	v5 =	vmul.f32 $2.000000030e-01, v4  }
0xcb: {  	vm3 =	vge.f32 v4, $0.0e+00  }
0xcc: {  	v4 =	vsel vm3, v4, v5  }
0xcd: {  	v4 =	vmul.f32 $1.442695020e+00, v4;
	_ =	sdelay $0x1  }
0xce: {  	(erf) = vpow2.f32 v4;
	_ =	sdelay $0x6  }
0xcf: {  	v39 =	vld [tilespmem:s22+$0xE0];
	_ =	sdelay $0x1  }
0xd0: {  	v4 =	vpop (erf)  }
0xd1: {  	v38 =	vnsel vm1, $0x0, v4;
	v4 =	vbroadcast v4, $0x0;
	_ =	sdelay $0x1  }
0xd2: {  	v4 =	vmul.f32 v4, v39  }
0xd3: {  	[tilespmem:s22+$0xF0] =	vst v38  }
0xd4: {  	[tilespmem:s22+$0xE0] =	vst v4  }
0xd5: {  	v4 =	vld [tilespmem:s24+$0x0]  }
0xd6: {  	v40 =	vld [tilespmem:s23+$0x0];
	_ =	sdelay $0x4  }
0xd7: {  	v4 =	vadd.f32 v40, v4;
	_ =	sdelay $0x1  }
0xd8: {  	v5 =	vmul.f32 $2.000000030e-01, v4  }
0xd9: {  	vm3 =	vge.f32 v4, $0.0e+00  }
0xda: {  	v4 =	vsel vm3, v4, v5  }
0xdb: {  	v4 =	vmul.f32 $1.442695020e+00, v4;
	_ =	sdelay $0x1  }
0xdc: {  	(erf) = vpow2.f32 v4;
	_ =	sdelay $0x6  }
0xdd: {  	v42 =	vld [tilespmem:s22+$0x100];
	_ =	sdelay $0x1  }
0xde: {  	v4 =	vpop (erf)  }
0xdf: {  	v41 =	vnsel vm1, $0x0, v4;
	v4 =	vbroadcast v4, $0x0;
	_ =	sdelay $0x1  }
0xe0: {  	v4 =	vmul.f32 v4, v42  }
0xe1: {  	[tilespmem:s22+$0x110] =	vst v41  }
0xe2: {  	[tilespmem:s22+$0x100] =	vst v4  }
0xe3: {  	v4 =	vld [tilespmem:s24+$0x10]  }
0xe4: {  	v43 =	vld [tilespmem:s23+$0x10];
	_ =	sdelay $0x4  }
0xe5: {  	v4 =	vadd.f32 v43, v4;
	_ =	sdelay $0x1  }
0xe6: {  	v5 =	vmul.f32 $2.000000030e-01, v4  }
0xe7: {  	vm3 =	vge.f32 v4, $0.0e+00  }
0xe8: {  	v4 =	vsel vm3, v4, v5  }
0xe9: {  	v4 =	vmul.f32 $1.442695020e+00, v4;
	_ =	sdelay $0x1  }
0xea: {  	(erf) = vpow2.f32 v4;
	_ =	sdelay $0x6  }
0xeb: {  	v45 =	vld [tilespmem:s22+$0x120];
	_ =	sdelay $0x1  }
0xec: {  	v4 =	vpop (erf)  }
0xed: {  	v44 =	vnsel vm1, $0x0, v4;
	v4 =	vbroadcast v4, $0x0;
	_ =	sdelay $0x1  }
0xee: {  	v4 =	vmul.f32 v4, v45  }
0xef: {  	[tilespmem:s22+$0x130] =	vst v44  }
0xf0: {  	[tilespmem:s22+$0x120] =	vst v4  }
0xf1: {  	v4 =	vld [tilespmem:s24+$0x20]  }
0xf2: {  	v46 =	vld [tilespmem:s23+$0x20];
	_ =	sdelay $0x4  }
0xf3: {  	v4 =	vadd.f32 v46, v4;
	_ =	sdelay $0x1  }
0xf4: {  	v5 =	vmul.f32 $2.000000030e-01, v4  }
0xf5: {  	vm3 =	vge.f32 v4, $0.0e+00  }
0xf6: {  	v4 =	vsel vm3, v4, v5  }
0xf7: {  	v4 =	vmul.f32 $1.442695020e+00, v4;
	_ =	sdelay $0x1  }
0xf8: {  	(erf) = vpow2.f32 v4;
	_ =	sdelay $0x6  }
0xf9: {  	v48 =	vld [tilespmem:s22+$0x140];
	_ =	sdelay $0x1  }
0xfa: {  	v4 =	vpop (erf)  }
0xfb: {  	v47 =	vnsel vm1, $0x0, v4;
	v4 =	vbroadcast v4, $0x0;
	_ =	sdelay $0x1  }
0xfc: {  	v4 =	vmul.f32 v4, v48  }
0xfd: {  	[tilespmem:s22+$0x150] =	vst v47  }
0xfe: {  	[tilespmem:s22+$0x140] =	vst v4  }
0xff: {  	v4 =	vld [tilespmem:s24+$0x30]  }
0x100: {  	v49 =	vld [tilespmem:s23+$0x30];
	_ =	sdelay $0x4  }
0x101: {  	v4 =	vadd.f32 v49, v4;
	_ =	sdelay $0x1  }
0x102: {  	v5 =	vmul.f32 $2.000000030e-01, v4  }
0x103: {  	vm3 =	vge.f32 v4, $0.0e+00  }
0x104: {  	v4 =	vsel vm3, v4, v5  }
0x105: {  	v4 =	vmul.f32 $1.442695020e+00, v4;
	_ =	sdelay $0x1  }
0x106: {  	(erf) = vpow2.f32 v4;
	_ =	sdelay $0x6  }
0x107: {  	v51 =	vld [tilespmem:s22+$0x160];
	_ =	sdelay $0x1  }
0x108: {  	v4 =	vpop (erf)  }
0x109: {  	v50 =	vnsel vm1, $0x0, v4;
	v4 =	vbroadcast v4, $0x0;
	_ =	sdelay $0x1  }
0x10a: {  	v4 =	vmul.f32 v4, v51  }
0x10b: {  	[tilespmem:s22+$0x170] =	vst v50  }
0x10c: {  	[tilespmem:s22+$0x160] =	vst v4  }
0x10d: {  	v4 =	vld [tilespmem:s24+$0x40]  }
0x10e: {  	v52 =	vld [tilespmem:s23+$0x40];
	_ =	sdelay $0x4  }
0x10f: {  	v4 =	vadd.f32 v52, v4;
	_ =	sdelay $0x1  }
0x110: {  	v5 =	vmul.f32 $2.000000030e-01, v4  }
0x111: {  	vm3 =	vge.f32 v4, $0.0e+00  }
0x112: {  	v4 =	vsel vm3, v4, v5  }
0x113: {  	v4 =	vmul.f32 $1.442695020e+00, v4;
	_ =	sdelay $0x1  }
0x114: {  	(erf) = vpow2.f32 v4;
	_ =	sdelay $0x6  }
0x115: {  	v54 =	vld [tilespmem:s22+$0x180];
	_ =	sdelay $0x1  }
0x116: {  	v4 =	vpop (erf)  }
0x117: {  	v53 =	vnsel vm1, $0x0, v4;
	v4 =	vbroadcast v4, $0x0;
	_ =	sdelay $0x1  }
0x118: {  	v4 =	vmul.f32 v4, v54  }
0x119: {  	[tilespmem:s22+$0x190] =	vst v53  }
0x11a: {  	[tilespmem:s22+$0x180] =	vst v4  }
0x11b: {  	v4 =	vld [tilespmem:s24+$0x50]  }
0x11c: {  	v55 =	vld [tilespmem:s23+$0x50];
	_ =	sdelay $0x4  }
0x11d: {  	v4 =	vadd.f32 v55, v4;
	_ =	sdelay $0x1  }
0x11e: {  	v5 =	vmul.f32 $2.000000030e-01, v4  }
0x11f: {  	vm3 =	vge.f32 v4, $0.0e+00  }
0x120: {  	v4 =	vsel vm3, v4, v5  }
0x121: {  	v4 =	vmul.f32 $1.442695020e+00, v4;
	_ =	sdelay $0x1  }
0x122: {  	(erf) = vpow2.f32 v4;
	_ =	sdelay $0x6  }
0x123: {  	v57 =	vld [tilespmem:s22+$0x1A0];
	_ =	sdelay $0x1  }
0x124: {  	v4 =	vpop (erf)  }
0x125: {  	v56 =	vnsel vm1, $0x0, v4;
	v4 =	vbroadcast v4, $0x0;
	_ =	sdelay $0x1  }
0x126: {  	v4 =	vmul.f32 v4, v57  }
0x127: {  	[tilespmem:s22+$0x1B0] =	vst v56  }
0x128: {  	[tilespmem:s22+$0x1A0] =	vst v4  }
0x129: {  	v4 =	vld [tilespmem:s24+$0x60]  }
0x12a: {  	v58 =	vld [tilespmem:s23+$0x60];
	_ =	sdelay $0x4  }
0x12b: {  	v4 =	vadd.f32 v58, v4;
	_ =	sdelay $0x1  }
0x12c: {  	v5 =	vmul.f32 $2.000000030e-01, v4  }
0x12d: {  	vm3 =	vge.f32 v4, $0.0e+00  }
0x12e: {  	v4 =	vsel vm3, v4, v5  }
0x12f: {  	v4 =	vmul.f32 $1.442695020e+00, v4;
	_ =	sdelay $0x1  }
0x130: {  	(erf) = vpow2.f32 v4;
	_ =	sdelay $0x6  }
0x131: {  	v60 =	vld [tilespmem:s22+$0x1C0];
	_ =	sdelay $0x1  }
0x132: {  	v4 =	vpop (erf)  }
0x133: {  	v59 =	vnsel vm1, $0x0, v4;
	v4 =	vbroadcast v4, $0x0;
	_ =	sdelay $0x1  }
0x134: {  	v4 =	vmul.f32 v4, v60  }
0x135: {  	[tilespmem:s22+$0x1D0] =	vst v59  }
0x136: {  	[tilespmem:s22+$0x1C0] =	vst v4  }
0x137: {  	v4 =	vld [tilespmem:s24+$0x70]  }
0x138: {  	v61 =	vld [tilespmem:s23+$0x70];
	_ =	sdelay $0x4  }
0x139: {  	v4 =	vadd.f32 v61, v4;
	_ =	sdelay $0x1  }
0x13a: {  	v5 =	vmul.f32 $2.000000030e-01, v4  }
0x13b: {  	vm3 =	vge.f32 v4, $0.0e+00  }
0x13c: {  	v4 =	vsel vm3, v4, v5  }
0x13d: {  	v4 =	vmul.f32 $1.442695020e+00, v4;
	_ =	sdelay $0x1  }
0x13e: {  	(erf) = vpow2.f32 v4;
	_ =	sdelay $0x4  }
0x13f: {  	s29 =	sadd.s32 s21, s11  }
0x140: {  	p0 =	slt.u32 s29, $0xCF850;
	vm3 =	vmmov vm0  }
0x141: {  	v63 =	vld [tilespmem:s22+$0x1E0];
	vm4 =	vge.s32 v3, v0;
	vm3 =	vmneg @p0 vm3  }
0x142: {  	vm15 =	vlt.s32 v3, v1;
	vm3 =	vmand vm3, vm4  }
0x143: {  	v3 =	vsub.s32 v3, v0;
	vm3 =	vmand vm15, vm3;
	v4 =	vpop (erf)  }
0x144: {  	v3 =	vsel vm3, v3, v2;
	v62 =	vnsel vm1, $0x0, v4;
	v4 =	vbroadcast v4, $0x0;
	_ =	sdelay $0x1  }
0x145: {  	v4 =	vmul.f32 v4, v63  }
0x146: {  	p0 =	sne.s32 s25, $0x7C0;
	[tilespmem:s22+$0x1F0] =	vst v62  }
.Ltmp0:
0x147: {  	[tilespmem:s22+$0x1E0] =	vst v4;
	(pc) =	sbr.rel @p0 .LBB2_3-.Ltmp0, $4  }
0x148: {  	[spmem:s1] =	stream.indirect_vreg.scatter.add.f32 [tilespmem:s22], [sflag:$0x4], $0x20, v3, vm2, $0xb8;
	[tilespmem:$0x14800] =	vst v63  }
0x149: {  	s21 =	sadd.s32 $0x10, s21;
	_ =	swait.ge [sflag:s17], $0x200  }
0x14a: {  	s23 =	sadd.s32 $0x100, s23;
	s24 =	sadd.s32 $0x100, s24;
	[sflag:s17] =	ssyncset.done $0x0  }
0x14b: {  	s25 =	sadd.s32 $0x40, s25;
	s22 =	sadd.s32 $0x200, s22;
	[sflag:s17] =	ssyncadd.s32 $0xFFFFFE00  }
0x14c: {  	s20 =	sadd.s32 $0x1, s20  }
0x14d: {  	p0 =	sne.s32 s20, $0x68  }
.Ltmp1:
0x14e: {  	_ = 	snop;
	(pc) =	sbr.rel @p0 .LBB2_2-.Ltmp1, $2  }
0x14f: {  	_ =	sdelay $0x2  }
0x150: {  	s11 =	sadd.s32 $0x200, s11  }
0x151: {  	[bflag:$0x0] =	sbarrier.arrive $0xFFFF  }
0x152: {  	s20 =	rddreg [dreg:$0x8]  }
0x153: {  	s21 =	rddreg [dreg:$0x7];
	s11 =	sshrl.u32 s20, $0x3  }
0x154: {  	[hbm:s21], [sflag:s10] =	dma.local [spmem:s11], $0x20  }
0x155: {  	s11 =	rddreg [dreg:$0x5]  }
0x156: {  	p0 =	sne.s32 s11, $0x1  }
.Ltmp2:
0x157: {  	_ = 	snop;
	(pc) =	sbr.rel @!p0 .LBB2_7-.Ltmp2, $3  }
0x158: {  	_ =	sdelay $0x1  }
0x159: {  	_ =	swait.ge [sflag:s17], $0x20  }
0x15a: {  	s20 =	sadd.s32 $0x1000, s20;
	s11 =	sadd.s32 $0xFFFFFFFF, s11;
	[sflag:s17] =	ssyncset.done $0x0  }
.LBB2_6:
0x15b: {  	s22 =	sshrl.u32 s20, $0x3  }
0x15c: {  	[sflag:s17] =	ssyncadd.s32 $0xFFFFFFE0;
	s21 =	sadd.s32 $0x200, s21;
	p0 =	sne.s32 s11, $0x1  }
0x15d: {  	[hbm:s21], [sflag:s10] =	dma.local [spmem:s22], $0x20  }
.Ltmp3:
0x15e: {  	_ = 	snop;
	(pc) =	sbr.rel @p0 .LBB2_6-.Ltmp3, $4  }
0x15f: {  	_ = 	snop  }
0x160: {  	s11 =	sadd.s32 $0xFFFFFFFF, s11  }
0x161: {  	_ =	swait.ge [sflag:s17], $0x20  }
0x162: {  	s20 =	sadd.s32 $0x1000, s20;
	[sflag:s17] =	ssyncset.done $0x0  }
.LBB2_7:
0x163: {  	s20 =	rddreg [dreg:$0x3]  }
0x164: {  	s11 =	rddreg [dreg:$0x6];
	s20 =	sadd.s32 $0x1, s20  }
0x165: {  	p0 =	sne.s32 s20, s11  }
.Ltmp4:
0x166: {  	_ = 	snop;
	(pc) =	sbr.rel @p0 .LBB2_1-.Ltmp4, $2  }
0x167: {  	_ =	sdelay $0x2  }
0x168: {  	[sflag:s17] =	ssyncadd.s32 $0xFFFFFFE0  }
0x169: {  	_ =	sfence.sel $0x180000  }
0x16a: {  	[bflag:$0x0] =	sbarrier.arrive $0xFFFF  }
0x16b: {  	_ =	strace $0x90000047  }
0x16c: {  	s0 =	stileid.u32;
	[bflag:$0x2] =	sbarrier.arrive $0xFFFF  }
0x16d: {  	p0 =	sne.s32 s0, $0x0;
	s0 =	rddreg [dreg:$0x2]  }
0x16e: {  	s0 =	sadd.s32 @!p0 $0x100000, s0  }
0x16f: {  	[sflag:s0] =	ssyncadd.tile.s32 @!p0 $0x1;
	_ =	shalt  }
.Lfunc_end2:
_tile_overlayer_lowered:
.L_overlay_start_2:
0x170: {  	(tag) =	ssettag $0x2  }
0x171: {  	s0 =	rddreg [dreg:$0x0];
	s2 =	stileid.u32  }
0x172: {  	s1 =	rddreg [dreg:$0x1];
	p0 =	sne.s32 s2, $0x0  }
0x173: {  	s3 =	rddreg [dreg:$0x2];
	[bflag:$0x3] =	sbarrier.arrive $0xFFFF;
	s2 =	simm.s32 @!p0 $0x1C04  }
0x174: {  	[timem:s3], [sflag:s2] =	dma.local @!p0 [hbm:s0], s1  }
0x175: {  	s0 =	simm.s32 @!p0 $0x4  }
0x176: {  	_ =	swait.ge @!p0 [sflag:s0], s1  }
0x177: {  	s1 =	ssub.s32 @!p0 $0x0, s1;
	[sflag:s0] =	ssyncset.done @!p0 $0x0  }
0x178: {  	[sflag:s0] =	ssyncadd.s32 @!p0 s1  }
0x179: {  	[bflag:$0x3] =	sbarrier.arrive $0xFFFF  }
0x17a: {  	_ =	shalt  }

</sc_bundles>
